<compile_context>
chip_gen: v7x
topology: tpu7x:2x2x1
jax: 0.10.2.dev20260603
libtpu: 0.0.44.dev20260713+nightly
codegen_flags: <defaults>
</compile_context>

<pallas_src>
import functools

import jax
import jax.numpy as jnp
from jax import lax
from jax.experimental import pallas as pl
from jax.experimental.pallas import tpu as pltpu
from jax.experimental.pallas import tpu_sc as plsc

_NC = 2
_NS = 16
_NW = _NC * _NS
_GROUP = 128
_K = 4
_BLOCK = _GROUP * _K


@functools.partial(jax.jit, static_argnames=("n_total", "dim"))
def _gather(idx_flat, weight, n_total, dim):
    n_per_w = n_total // _NW
    n_groups = n_per_w // _GROUP
    nblk = n_groups // _K
    assert nblk % 2 == 0
    idx_3d = idx_flat.reshape(_NW, n_groups, _GROUP)

    mesh = plsc.VectorSubcoreMesh(core_axis_name="c", subcore_axis_name="s")

    @functools.partial(
        pl.kernel,
        mesh=mesh,
        out_type=jax.ShapeDtypeStruct((n_total, dim), jnp.float32),
        scratch_types=[
            pltpu.VMEM((n_groups, _GROUP), jnp.int32),
            pltpu.VMEM((_BLOCK, dim), jnp.float32),
            pltpu.VMEM((_BLOCK, dim), jnp.float32),
            pltpu.SemaphoreType.DMA,
            pltpu.SemaphoreType.DMA,
            pltpu.SemaphoreType.DMA,
            pltpu.SemaphoreType.DMA,
        ],
        compiler_params=pltpu.CompilerParams(use_tc_tiling_on_sc=False),
    )
    def k(idx_hbm, table_hbm, out_hbm, idx_v, rows0, rows1, g0, g1, o0, o1):
        wid = lax.axis_index("s") * _NC + lax.axis_index("c")
        base = wid * n_per_w
        pltpu.sync_copy(idx_hbm.at[wid], idx_v)

        def gather_descs(blk, rows, gsem):
            return [
                (table_hbm.at[idx_v.at[blk * _K + b]],
                 rows.at[pl.ds(b * _GROUP, _GROUP)],
                 gsem)
                for b in range(_K)
            ]

        def out_slice(blk):
            return out_hbm.at[pl.ds(base + blk * _BLOCK, _BLOCK)]

        for src, dst, sem in gather_descs(0, rows0, g0):
            pltpu.async_copy(src, dst, sem)

        def handle(i, rows_p, gsem_p, osem_p, rows_q, gsem_q, osem_q):
            for src, dst, sem in gather_descs(i, rows_p, gsem_p):
                pltpu.make_async_copy(src, dst, sem).wait()
            pltpu.async_copy(rows_p, out_slice(i), osem_p)

            @pl.when(i + 1 < nblk)
            def _():
                @pl.when(i >= 1)
                def _():
                    pltpu.make_async_copy(rows_q, out_slice(i - 1), osem_q).wait()

                for src, dst, sem in gather_descs(i + 1, rows_q, gsem_q):
                    pltpu.async_copy(src, dst, sem)

        def body(i, _):
            even = (i % 2) == 0

            @pl.when(even)
            def _():
                handle(i, rows0, g0, o0, rows1, g1, o1)

            @pl.when(jnp.logical_not(even))
            def _():
                handle(i, rows1, g1, o1, rows0, g0, o0)

            return 0

        lax.fori_loop(0, nblk, body, 0)
        pltpu.make_async_copy(rows0, out_slice(nblk - 2), o0).wait()
        pltpu.make_async_copy(rows1, out_slice(nblk - 1), o1).wait()

    return k(idx_3d, weight)


def kernel(input_, weight):
    b, s = input_.shape
    dim = weight.shape[1]
    n_total = b * s
    out_sm = _gather(input_.T.reshape(n_total), weight, n_total, dim)
    return out_sm.reshape(s, b, dim).transpose(1, 0, 2)

# --- scband reference (transcript-rebuilt; emitter-appended) ---
"""Pipeline reference for scband-vocab-parallel-embedding-46823733461040 (READ-ONLY COPY).

The authoritative reference and input builder live on the scoring server;
editing this copy changes nothing except your own understanding.
"""

import jax, jax.numpy as jnp
import numpy as np

NUM_EMBEDDINGS = 1000000
EMBEDDING_DIM = 64
BATCH = 16384
SEQ = 50

def setup_inputs(seed: int = 0) -> dict:
    key = jax.random.key(seed)
    k1, k2 = jax.random.split(key)
    # token indices in [0, vocab)
    input_ = jax.random.randint(k1, (BATCH, SEQ), 0, NUM_EMBEDDINGS, dtype=jnp.int32)
    # embedding table (the sharded weight; single-rank case holds full table)
    weight = jax.random.normal(k2, (NUM_EMBEDDINGS, EMBEDDING_DIM), dtype=jnp.float32) * 0.02
    return {"input_": input_, "weight": weight}

def reference(input_, weight):
    # VocabParallelEmbedding.forward with tensor_model_parallel_size == 1:
    #   masked_input = input_ (no masking needed)
    #   output_parallel = F.embedding(masked_input, weight)
    #   reduce_from_tensor_model_parallel_region is identity on a single rank
    output = jnp.take(weight, input_, axis=0)
    return output

if __name__ == "__main__":
    import jax
    _d = setup_inputs()
    print(jax.jit(kernel)(*tuple(_d.values())))

</pallas_src>

<mosaic_0001>
#map = affine_map<(d0, d1) -> (0, 0, 0)>
#map1 = affine_map<(d0, d1) -> (0, 0)>
module attributes {stable_mosaic.version = 14 : i64} {
  func.func @k(%arg0: i32, %arg1: i32, %arg2: memref<32x200x128xi32, #tpu.memory_space<hbm>>, %arg3: memref<1000000x64xf32, #tpu.memory_space<hbm>>, %arg4: memref<819200x64xf32, #tpu.memory_space<hbm>>, %arg5: memref<200x128xi32, #tpu.memory_space<vmem>>, %arg6: memref<512x64xf32, #tpu.memory_space<vmem>>, %arg7: memref<512x64xf32, #tpu.memory_space<vmem>>, %arg8: memref<!tpu.dma_semaphore, #tpu.memory_space<semaphore_mem>>, %arg9: memref<!tpu.dma_semaphore, #tpu.memory_space<semaphore_mem>>, %arg10: memref<!tpu.dma_semaphore, #tpu.memory_space<semaphore_mem>>, %arg11: memref<!tpu.dma_semaphore, #tpu.memory_space<semaphore_mem>>) attributes {dimension_semantics = [#tpu.dimension_semantics<core_parallel>, #tpu.dimension_semantics<subcore_parallel>], iteration_bounds = array<i64: 2, 16>, scalar_prefetch = 0 : i64, scratch_operands = 7 : i64, tpu.core_type = #tpu.core_type<sc_vector_subcore>, window_params = [{transform_indices = #map}, {transform_indices = #map1}, {transform_indices = #map1}]} {
    %mul3A = arith.constant 2 : i32
    %mul3A_0 = arith.muli %arg1, %mul3A : i32
    %add3A = arith.addi %mul3A_0, %arg0 : i32
    %mul3A_1 = arith.constant 25600 : i32
    %mul3A_2 = arith.muli %add3A, %mul3A_1 : i32
    "tpu.region"() ({
      %run_scoped3A = tpu.sem_alloc : memref<!tpu.dma_semaphore, #tpu.memory_space<semaphore_mem>>
      %dma_start3A_59 = arith.constant 0 : i32
      %dma_start3A_60 = arith.constant 0 : i32
      %dma_start3A_61 = tpu.memref_slice %arg2[%add3A, %dma_start3A_59, %dma_start3A_60] : memref<32x200x128xi32, #tpu.memory_space<hbm>> -> memref<1x200x128xi32, #tpu.memory_space<hbm>>
      %dma_start3A_62 = tpu.memref_squeeze %dma_start3A_61 : memref<1x200x128xi32, #tpu.memory_space<hbm>> -> memref<200x128xi32, #tpu.memory_space<hbm>>
      %dma_start3A_63 = arith.constant 0 : i32
      %dma_start3A_64 = arith.constant 0 : i32
      %dma_start3A_65 = tpu.memref_slice %arg2[%add3A, %dma_start3A_63, %dma_start3A_64] : memref<32x200x128xi32, #tpu.memory_space<hbm>> -> memref<1x200x128xi32, #tpu.memory_space<hbm>>
      %dma_start3A_66 = tpu.memref_squeeze %dma_start3A_65 : memref<1x200x128xi32, #tpu.memory_space<hbm>> -> memref<200x128xi32, #tpu.memory_space<hbm>>
      tpu.enqueue_dma source(%dma_start3A_66 : memref<200x128xi32, #tpu.memory_space<hbm>>) target(%arg5 : memref<200x128xi32, #tpu.memory_space<vmem>>) target_semaphore(%run_scoped3A : memref<!tpu.dma_semaphore, #tpu.memory_space<semaphore_mem>>)
      %dma_wait3A_67 = arith.constant 0 : i32
      %dma_wait3A_68 = arith.constant 0 : i32
      %dma_wait3A_69 = tpu.memref_slice %arg2[%add3A, %dma_wait3A_67, %dma_wait3A_68] : memref<32x200x128xi32, #tpu.memory_space<hbm>> -> memref<1x200x128xi32, #tpu.memory_space<hbm>>
      %dma_wait3A_70 = tpu.memref_squeeze %dma_wait3A_69 : memref<1x200x128xi32, #tpu.memory_space<hbm>> -> memref<200x128xi32, #tpu.memory_space<hbm>>
      %dma_wait3A_71 = arith.constant 0 : i32
      %dma_wait3A_72 = arith.constant 0 : i32
      %dma_wait3A_73 = tpu.memref_slice %arg2[%add3A, %dma_wait3A_71, %dma_wait3A_72] : memref<32x200x128xi32, #tpu.memory_space<hbm>> -> memref<1x200x128xi32, #tpu.memory_space<hbm>>
      %dma_wait3A_74 = tpu.memref_squeeze %dma_wait3A_73 : memref<1x200x128xi32, #tpu.memory_space<hbm>> -> memref<200x128xi32, #tpu.memory_space<hbm>>
      tpu.wait_dma2 semaphore(%run_scoped3A : memref<!tpu.dma_semaphore, #tpu.memory_space<semaphore_mem>>) src(%dma_wait3A_74 : memref<200x128xi32, #tpu.memory_space<hbm>>) dst(%arg5 : memref<200x128xi32, #tpu.memory_space<vmem>>)
      tpu.yield
    }) : () -> ()
    %dma_start3A = arith.constant 0 : i32
    %dma_start3A_3 = arith.constant 0 : i32
    %dma_start3A_4 = arith.constant 0 : i32
    %dma_start3A_5 = tpu.memref_slice %arg6[%dma_start3A_3, %dma_start3A_4] : memref<512x64xf32, #tpu.memory_space<vmem>> -> memref<128x64xf32, #tpu.memory_space<vmem>>
    %dma_start3A_6 = arith.constant 0 : i32
    %dma_start3A_7 = tpu.memref_slice %arg5[%dma_start3A, %dma_start3A_6] : memref<200x128xi32, #tpu.memory_space<vmem>> -> memref<1x128xi32, #tpu.memory_space<vmem>>
    %dma_start3A_8 = tpu.memref_squeeze %dma_start3A_7 : memref<1x128xi32, #tpu.memory_space<vmem>> -> memref<128xi32, #tpu.memory_space<vmem>>
    %dma_start3A_9 = arith.constant 0 : i32
    %dma_start3A_10 = arith.constant 0 : i32
    %dma_start3A_11 = tpu.memref_slice %arg3[%dma_start3A_9, %dma_start3A_10] : memref<1000000x64xf32, #tpu.memory_space<hbm>> -> memref<1000000x64xf32, #tpu.memory_space<hbm>>
    tpu.enqueue_indirect_dma source(%dma_start3A_11 : memref<1000000x64xf32, #tpu.memory_space<hbm>>) target(%dma_start3A_5 : memref<128x64xf32, #tpu.memory_space<vmem>>) offsets(%dma_start3A_8 : memref<128xi32, #tpu.memory_space<vmem>>) semaphore(%arg8 : memref<!tpu.dma_semaphore, #tpu.memory_space<semaphore_mem>>)
    %dma_start3A_12 = arith.constant 1 : i32
    %dma_start3A_13 = arith.constant 128 : i32
    %dma_start3A_14 = arith.constant 0 : i32
    %dma_start3A_15 = tpu.memref_slice %arg6[%dma_start3A_13, %dma_start3A_14] : memref<512x64xf32, #tpu.memory_space<vmem>> -> memref<128x64xf32, #tpu.memory_space<vmem>>
    %dma_start3A_16 = arith.constant 0 : i32
    %dma_start3A_17 = tpu.memref_slice %arg5[%dma_start3A_12, %dma_start3A_16] : memref<200x128xi32, #tpu.memory_space<vmem>> -> memref<1x128xi32, #tpu.memory_space<vmem>>
    %dma_start3A_18 = tpu.memref_squeeze %dma_start3A_17 : memref<1x128xi32, #tpu.memory_space<vmem>> -> memref<128xi32, #tpu.memory_space<vmem>>
    %dma_start3A_19 = arith.constant 0 : i32
    %dma_start3A_20 = arith.constant 0 : i32
    %dma_start3A_21 = tpu.memref_slice %arg3[%dma_start3A_19, %dma_start3A_20] : memref<1000000x64xf32, #tpu.memory_space<hbm>> -> memref<1000000x64xf32, #tpu.memory_space<hbm>>
    tpu.enqueue_indirect_dma source(%dma_start3A_21 : memref<1000000x64xf32, #tpu.memory_space<hbm>>) target(%dma_start3A_15 : memref<128x64xf32, #tpu.memory_space<vmem>>) offsets(%dma_start3A_18 : memref<128xi32, #tpu.memory_space<vmem>>) semaphore(%arg8 : memref<!tpu.dma_semaphore, #tpu.memory_space<semaphore_mem>>)
    %dma_start3A_22 = arith.constant 2 : i32
    %dma_start3A_23 = arith.constant 256 : i32
    %dma_start3A_24 = arith.constant 0 : i32
    %dma_start3A_25 = tpu.memref_slice %arg6[%dma_start3A_23, %dma_start3A_24] : memref<512x64xf32, #tpu.memory_space<vmem>> -> memref<128x64xf32, #tpu.memory_space<vmem>>
    %dma_start3A_26 = arith.constant 0 : i32
    %dma_start3A_27 = tpu.memref_slice %arg5[%dma_start3A_22, %dma_start3A_26] : memref<200x128xi32, #tpu.memory_space<vmem>> -> memref<1x128xi32, #tpu.memory_space<vmem>>
    %dma_start3A_28 = tpu.memref_squeeze %dma_start3A_27 : memref<1x128xi32, #tpu.memory_space<vmem>> -> memref<128xi32, #tpu.memory_space<vmem>>
    %dma_start3A_29 = arith.constant 0 : i32
    %dma_start3A_30 = arith.constant 0 : i32
    %dma_start3A_31 = tpu.memref_slice %arg3[%dma_start3A_29, %dma_start3A_30] : memref<1000000x64xf32, #tpu.memory_space<hbm>> -> memref<1000000x64xf32, #tpu.memory_space<hbm>>
    tpu.enqueue_indirect_dma source(%dma_start3A_31 : memref<1000000x64xf32, #tpu.memory_space<hbm>>) target(%dma_start3A_25 : memref<128x64xf32, #tpu.memory_space<vmem>>) offsets(%dma_start3A_28 : memref<128xi32, #tpu.memory_space<vmem>>) semaphore(%arg8 : memref<!tpu.dma_semaphore, #tpu.memory_space<semaphore_mem>>)
    %dma_start3A_32 = arith.constant 3 : i32
    %dma_start3A_33 = arith.constant 384 : i32
    %dma_start3A_34 = arith.constant 0 : i32
    %dma_start3A_35 = tpu.memref_slice %arg6[%dma_start3A_33, %dma_start3A_34] : memref<512x64xf32, #tpu.memory_space<vmem>> -> memref<128x64xf32, #tpu.memory_space<vmem>>
    %dma_start3A_36 = arith.constant 0 : i32
    %dma_start3A_37 = tpu.memref_slice %arg5[%dma_start3A_32, %dma_start3A_36] : memref<200x128xi32, #tpu.memory_space<vmem>> -> memref<1x128xi32, #tpu.memory_space<vmem>>
    %dma_start3A_38 = tpu.memref_squeeze %dma_start3A_37 : memref<1x128xi32, #tpu.memory_space<vmem>> -> memref<128xi32, #tpu.memory_space<vmem>>
    %dma_start3A_39 = arith.constant 0 : i32
    %dma_start3A_40 = arith.constant 0 : i32
    %dma_start3A_41 = tpu.memref_slice %arg3[%dma_start3A_39, %dma_start3A_40] : memref<1000000x64xf32, #tpu.memory_space<hbm>> -> memref<1000000x64xf32, #tpu.memory_space<hbm>>
    tpu.enqueue_indirect_dma source(%dma_start3A_41 : memref<1000000x64xf32, #tpu.memory_space<hbm>>) target(%dma_start3A_35 : memref<128x64xf32, #tpu.memory_space<vmem>>) offsets(%dma_start3A_38 : memref<128xi32, #tpu.memory_space<vmem>>) semaphore(%arg8 : memref<!tpu.dma_semaphore, #tpu.memory_space<semaphore_mem>>)
    %scan3A = arith.constant 0 : i32
    %scan3A_42 = arith.constant 0 : i32
    %scan3A_43 = arith.constant 50 : i32
    %scan3A_44 = arith.addi %scan3A_42, %scan3A_43 : i32
    %scan3A_45 = arith.constant 1 : i32
    %scan3A_46 = scf.for %scan3A_59 = %scan3A_42 to %scan3A_44 step %scan3A_45 iter_args(%scan3A_60 = %scan3A) -> (i32)  : i32 {
      %jit3A = arith.constant 2 : i32
      %eq3A = arith.constant 0 : i32
      %eq3A_61 = arith.cmpi eq, %jit3A, %eq3A : i32
      %jit3A_62 = arith.constant 1 : i32
      %select_n3A = arith.select %eq3A_61, %jit3A_62, %jit3A : i32
      %rem3A = arith.remsi %scan3A_59, %select_n3A : i32
      %ne3A = arith.constant 0 : i32
      %ne3A_63 = arith.cmpi ne, %rem3A, %ne3A : i32
      %lt3A = arith.constant 0 : i32
      %lt3A_64 = arith.cmpi slt, %rem3A, %lt3A : i32
      %lt3A_65 = arith.constant 0 : i32
      %lt3A_66 = arith.cmpi slt, %select_n3A, %lt3A_65 : i32
      %ne3A_67 = arith.xori %lt3A_64, %lt3A_66 : i1
      %and3A = arith.andi %ne3A_67, %ne3A_63 : i1
      %add3A_68 = arith.addi %rem3A, %select_n3A : i32
      %select_n3A_69 = arith.select %and3A, %add3A_68, %rem3A : i32
      %eq3A_70 = arith.constant 0 : i32
      %eq3A_71 = arith.cmpi eq, %select_n3A_69, %eq3A_70 : i32
      %convert_element_type3A = arith.extui %eq3A_71 : i1 to i32
      %cond3A = arith.constant 0 : i32
      %cond3A_72 = arith.cmpi ne, %convert_element_type3A, %cond3A : i32
      scf.if %cond3A_72 {
        %mul3A_78 = arith.constant 4 : i32
        %mul3A_79 = arith.muli %scan3A_59, %mul3A_78 : i32
        %add3A_80 = arith.constant 0 : i32
        %add3A_81 = arith.addi %mul3A_79, %add3A_80 : i32
        %mul3A_82 = arith.constant 4 : i32
        %mul3A_83 = arith.muli %scan3A_59, %mul3A_82 : i32
        %add3A_84 = arith.constant 1 : i32
        %add3A_85 = arith.addi %mul3A_83, %add3A_84 : i32
        %mul3A_86 = arith.constant 4 : i32
        %mul3A_87 = arith.muli %scan3A_59, %mul3A_86 : i32
        %add3A_88 = arith.constant 2 : i32
        %add3A_89 = arith.addi %mul3A_87, %add3A_88 : i32
        %mul3A_90 = arith.constant 4 : i32
        %mul3A_91 = arith.muli %scan3A_59, %mul3A_90 : i32
        %add3A_92 = arith.constant 3 : i32
        %add3A_93 = arith.addi %mul3A_91, %add3A_92 : i32
        %dma_wait3A_94 = arith.constant 0 : i32
        %dma_wait3A_95 = arith.constant 0 : i32
        %dma_wait3A_96 = tpu.memref_slice %arg6[%dma_wait3A_94, %dma_wait3A_95] : memref<512x64xf32, #tpu.memory_space<vmem>> -> memref<128x64xf32, #tpu.memory_space<vmem>>
        %dma_wait3A_97 = arith.constant 0 : i32
        %dma_wait3A_98 = tpu.memref_slice %arg5[%add3A_81, %dma_wait3A_97] : memref<200x128xi32, #tpu.memory_space<vmem>> -> memref<1x128xi32, #tpu.memory_space<vmem>>
        %dma_wait3A_99 = tpu.memref_squeeze %dma_wait3A_98 : memref<1x128xi32, #tpu.memory_space<vmem>> -> memref<128xi32, #tpu.memory_space<vmem>>
        %dma_wait3A_100 = arith.constant 0 : i32
        %dma_wait3A_101 = arith.constant 0 : i32
        %dma_wait3A_102 = tpu.memref_slice %arg3[%dma_wait3A_100, %dma_wait3A_101] : memref<1000000x64xf32, #tpu.memory_space<hbm>> -> memref<1000000x64xf32, #tpu.memory_space<hbm>>
        tpu.wait_indirect_dma semaphore(%arg8 : memref<!tpu.dma_semaphore, #tpu.memory_space<semaphore_mem>>) src(%dma_wait3A_102 : memref<1000000x64xf32, #tpu.memory_space<hbm>>) dst(%dma_wait3A_96 : memref<128x64xf32, #tpu.memory_space<vmem>>)
        %dma_wait3A_103 = arith.constant 128 : i32
        %dma_wait3A_104 = arith.constant 0 : i32
        %dma_wait3A_105 = tpu.memref_slice %arg6[%dma_wait3A_103, %dma_wait3A_104] : memref<512x64xf32, #tpu.memory_space<vmem>> -> memref<128x64xf32, #tpu.memory_space<vmem>>
        %dma_wait3A_106 = arith.constant 0 : i32
        %dma_wait3A_107 = tpu.memref_slice %arg5[%add3A_85, %dma_wait3A_106] : memref<200x128xi32, #tpu.memory_space<vmem>> -> memref<1x128xi32, #tpu.memory_space<vmem>>
        %dma_wait3A_108 = tpu.memref_squeeze %dma_wait3A_107 : memref<1x128xi32, #tpu.memory_space<vmem>> -> memref<128xi32, #tpu.memory_space<vmem>>
        %dma_wait3A_109 = arith.constant 0 : i32
        %dma_wait3A_110 = arith.constant 0 : i32
        %dma_wait3A_111 = tpu.memref_slice %arg3[%dma_wait3A_109, %dma_wait3A_110] : memref<1000000x64xf32, #tpu.memory_space<hbm>> -> memref<1000000x64xf32, #tpu.memory_space<hbm>>
        tpu.wait_indirect_dma semaphore(%arg8 : memref<!tpu.dma_semaphore, #tpu.memory_space<semaphore_mem>>) src(%dma_wait3A_111 : memref<1000000x64xf32, #tpu.memory_space<hbm>>) dst(%dma_wait3A_105 : memref<128x64xf32, #tpu.memory_space<vmem>>)
        %dma_wait3A_112 = arith.constant 256 : i32
        %dma_wait3A_113 = arith.constant 0 : i32
        %dma_wait3A_114 = tpu.memref_slice %arg6[%dma_wait3A_112, %dma_wait3A_113] : memref<512x64xf32, #tpu.memory_space<vmem>> -> memref<128x64xf32, #tpu.memory_space<vmem>>
        %dma_wait3A_115 = arith.constant 0 : i32
        %dma_wait3A_116 = tpu.memref_slice %arg5[%add3A_89, %dma_wait3A_115] : memref<200x128xi32, #tpu.memory_space<vmem>> -> memref<1x128xi32, #tpu.memory_space<vmem>>
        %dma_wait3A_117 = tpu.memref_squeeze %dma_wait3A_116 : memref<1x128xi32, #tpu.memory_space<vmem>> -> memref<128xi32, #tpu.memory_space<vmem>>
        %dma_wait3A_118 = arith.constant 0 : i32
        %dma_wait3A_119 = arith.constant 0 : i32
        %dma_wait3A_120 = tpu.memref_slice %arg3[%dma_wait3A_118, %dma_wait3A_119] : memref<1000000x64xf32, #tpu.memory_space<hbm>> -> memref<1000000x64xf32, #tpu.memory_space<hbm>>
        tpu.wait_indirect_dma semaphore(%arg8 : memref<!tpu.dma_semaphore, #tpu.memory_space<semaphore_mem>>) src(%dma_wait3A_120 : memref<1000000x64xf32, #tpu.memory_space<hbm>>) dst(%dma_wait3A_114 : memref<128x64xf32, #tpu.memory_space<vmem>>)
        %dma_wait3A_121 = arith.constant 384 : i32
        %dma_wait3A_122 = arith.constant 0 : i32
        %dma_wait3A_123 = tpu.memref_slice %arg6[%dma_wait3A_121, %dma_wait3A_122] : memref<512x64xf32, #tpu.memory_space<vmem>> -> memref<128x64xf32, #tpu.memory_space<vmem>>
        %dma_wait3A_124 = arith.constant 0 : i32
        %dma_wait3A_125 = tpu.memref_slice %arg5[%add3A_93, %dma_wait3A_124] : memref<200x128xi32, #tpu.memory_space<vmem>> -> memref<1x128xi32, #tpu.memory_space<vmem>>
        %dma_wait3A_126 = tpu.memref_squeeze %dma_wait3A_125 : memref<1x128xi32, #tpu.memory_space<vmem>> -> memref<128xi32, #tpu.memory_space<vmem>>
        %dma_wait3A_127 = arith.constant 0 : i32
        %dma_wait3A_128 = arith.constant 0 : i32
        %dma_wait3A_129 = tpu.memref_slice %arg3[%dma_wait3A_127, %dma_wait3A_128] : memref<1000000x64xf32, #tpu.memory_space<hbm>> -> memref<1000000x64xf32, #tpu.memory_space<hbm>>
        tpu.wait_indirect_dma semaphore(%arg8 : memref<!tpu.dma_semaphore, #tpu.memory_space<semaphore_mem>>) src(%dma_wait3A_129 : memref<1000000x64xf32, #tpu.memory_space<hbm>>) dst(%dma_wait3A_123 : memref<128x64xf32, #tpu.memory_space<vmem>>)
        %mul3A_130 = arith.constant 512 : i32
        %mul3A_131 = arith.muli %scan3A_59, %mul3A_130 : i32
        %add3A_132 = arith.addi %mul3A_2, %mul3A_131 : i32
        %dma_start3A_133 = arith.constant 0 : i32
        %dma_start3A_134 = tpu.memref_slice %arg4[%add3A_132, %dma_start3A_133] : memref<819200x64xf32, #tpu.memory_space<hbm>> -> memref<512x64xf32, #tpu.memory_space<hbm>>
        %dma_start3A_135 = arith.constant 0 : i32
        %dma_start3A_136 = tpu.memref_slice %arg4[%add3A_132, %dma_start3A_135] : memref<819200x64xf32, #tpu.memory_space<hbm>> -> memref<512x64xf32, #tpu.memory_space<hbm>>
        tpu.enqueue_dma source(%arg6 : memref<512x64xf32, #tpu.memory_space<vmem>>) target(%dma_start3A_136 : memref<512x64xf32, #tpu.memory_space<hbm>>) target_semaphore(%arg10 : memref<!tpu.dma_semaphore, #tpu.memory_space<semaphore_mem>>)
        %add3A_137 = arith.constant 1 : i32
        %add3A_138 = arith.addi %scan3A_59, %add3A_137 : i32
        %lt3A_139 = arith.constant 50 : i32
        %lt3A_140 = arith.cmpi slt, %add3A_138, %lt3A_139 : i32
        %convert_element_type3A_141 = arith.extui %lt3A_140 : i1 to i32
        %cond3A_142 = arith.constant 0 : i32
        %cond3A_143 = arith.cmpi ne, %convert_element_type3A_141, %cond3A_142 : i32
        scf.if %cond3A_143 {
          %ge3A = arith.constant 1 : i32
          %ge3A_144 = arith.cmpi sge, %scan3A_59, %ge3A : i32
          %convert_element_type3A_145 = arith.extui %ge3A_144 : i1 to i32
          %cond3A_146 = arith.constant 0 : i32
          %cond3A_147 = arith.cmpi ne, %convert_element_type3A_145, %cond3A_146 : i32
          scf.if %cond3A_147 {
            %sub3A = arith.constant 1 : i32
            %sub3A_202 = arith.subi %scan3A_59, %sub3A : i32
            %mul3A_203 = arith.constant 512 : i32
            %mul3A_204 = arith.muli %sub3A_202, %mul3A_203 : i32
            %add3A_205 = arith.addi %mul3A_2, %mul3A_204 : i32
            %dma_wait3A_206 = arith.constant 0 : i32
            %dma_wait3A_207 = tpu.memref_slice %arg4[%add3A_205, %dma_wait3A_206] : memref<819200x64xf32, #tpu.memory_space<hbm>> -> memref<512x64xf32, #tpu.memory_space<hbm>>
            %dma_wait3A_208 = arith.constant 0 : i32
            %dma_wait3A_209 = tpu.memref_slice %arg4[%add3A_205, %dma_wait3A_208] : memref<819200x64xf32, #tpu.memory_space<hbm>> -> memref<512x64xf32, #tpu.memory_space<hbm>>
            tpu.wait_dma2 semaphore(%arg11 : memref<!tpu.dma_semaphore, #tpu.memory_space<semaphore_mem>>) src(%arg7 : memref<512x64xf32, #tpu.memory_space<vmem>>) dst(%dma_wait3A_209 : memref<512x64xf32, #tpu.memory_space<hbm>>)
          } else {
          }
          %add3A_148 = arith.constant 1 : i32
          %add3A_149 = arith.addi %scan3A_59, %add3A_148 : i32
          %mul3A_150 = arith.constant 4 : i32
          %mul3A_151 = arith.muli %add3A_149, %mul3A_150 : i32
          %add3A_152 = arith.constant 0 : i32
          %add3A_153 = arith.addi %mul3A_151, %add3A_152 : i32
          %mul3A_154 = arith.constant 4 : i32
          %mul3A_155 = arith.muli %add3A_149, %mul3A_154 : i32
          %add3A_156 = arith.constant 1 : i32
          %add3A_157 = arith.addi %mul3A_155, %add3A_156 : i32
          %mul3A_158 = arith.constant 4 : i32
          %mul3A_159 = arith.muli %add3A_149, %mul3A_158 : i32
          %add3A_160 = arith.constant 2 : i32
          %add3A_161 = arith.addi %mul3A_159, %add3A_160 : i32
          %mul3A_162 = arith.constant 4 : i32
          %mul3A_163 = arith.muli %add3A_149, %mul3A_162 : i32
          %add3A_164 = arith.constant 3 : i32
          %add3A_165 = arith.addi %mul3A_163, %add3A_164 : i32
          %dma_start3A_166 = arith.constant 0 : i32
          %dma_start3A_167 = arith.constant 0 : i32
          %dma_start3A_168 = tpu.memref_slice %arg7[%dma_start3A_166, %dma_start3A_167] : memref<512x64xf32, #tpu.memory_space<vmem>> -> memref<128x64xf32, #tpu.memory_space<vmem>>
          %dma_start3A_169 = arith.constant 0 : i32
          %dma_start3A_170 = tpu.memref_slice %arg5[%add3A_153, %dma_start3A_169] : memref<200x128xi32, #tpu.memory_space<vmem>> -> memref<1x128xi32, #tpu.memory_space<vmem>>
          %dma_start3A_171 = tpu.memref_squeeze %dma_start3A_170 : memref<1x128xi32, #tpu.memory_space<vmem>> -> memref<128xi32, #tpu.memory_space<vmem>>
          %dma_start3A_172 = arith.constant 0 : i32
          %dma_start3A_173 = arith.constant 0 : i32
          %dma_start3A_174 = tpu.memref_slice %arg3[%dma_start3A_172, %dma_start3A_173] : memref<1000000x64xf32, #tpu.memory_space<hbm>> -> memref<1000000x64xf32, #tpu.memory_space<hbm>>
          tpu.enqueue_indirect_dma source(%dma_start3A_174 : memref<1000000x64xf32, #tpu.memory_space<hbm>>) target(%dma_start3A_168 : memref<128x64xf32, #tpu.memory_space<vmem>>) offsets(%dma_start3A_171 : memref<128xi32, #tpu.memory_space<vmem>>) semaphore(%arg9 : memref<!tpu.dma_semaphore, #tpu.memory_space<semaphore_mem>>)
          %dma_start3A_175 = arith.constant 128 : i32
          %dma_start3A_176 = arith.constant 0 : i32
          %dma_start3A_177 = tpu.memref_slice %arg7[%dma_start3A_175, %dma_start3A_176] : memref<512x64xf32, #tpu.memory_space<vmem>> -> memref<128x64xf32, #tpu.memory_space<vmem>>
          %dma_start3A_178 = arith.constant 0 : i32
          %dma_start3A_179 = tpu.memref_slice %arg5[%add3A_157, %dma_start3A_178] : memref<200x128xi32, #tpu.memory_space<vmem>> -> memref<1x128xi32, #tpu.memory_space<vmem>>
          %dma_start3A_180 = tpu.memref_squeeze %dma_start3A_179 : memref<1x128xi32, #tpu.memory_space<vmem>> -> memref<128xi32, #tpu.memory_space<vmem>>
          %dma_start3A_181 = arith.constant 0 : i32
          %dma_start3A_182 = arith.constant 0 : i32
          %dma_start3A_183 = tpu.memref_slice %arg3[%dma_start3A_181, %dma_start3A_182] : memref<1000000x64xf32, #tpu.memory_space<hbm>> -> memref<1000000x64xf32, #tpu.memory_space<hbm>>
          tpu.enqueue_indirect_dma source(%dma_start3A_183 : memref<1000000x64xf32, #tpu.memory_space<hbm>>) target(%dma_start3A_177 : memref<128x64xf32, #tpu.memory_space<vmem>>) offsets(%dma_start3A_180 : memref<128xi32, #tpu.memory_space<vmem>>) semaphore(%arg9 : memref<!tpu.dma_semaphore, #tpu.memory_space<semaphore_mem>>)
          %dma_start3A_184 = arith.constant 256 : i32
          %dma_start3A_185 = arith.constant 0 : i32
          %dma_start3A_186 = tpu.memref_slice %arg7[%dma_start3A_184, %dma_start3A_185] : memref<512x64xf32, #tpu.memory_space<vmem>> -> memref<128x64xf32, #tpu.memory_space<vmem>>
          %dma_start3A_187 = arith.constant 0 : i32
          %dma_start3A_188 = tpu.memref_slice %arg5[%add3A_161, %dma_start3A_187] : memref<200x128xi32, #tpu.memory_space<vmem>> -> memref<1x128xi32, #tpu.memory_space<vmem>>
          %dma_start3A_189 = tpu.memref_squeeze %dma_start3A_188 : memref<1x128xi32, #tpu.memory_space<vmem>> -> memref<128xi32, #tpu.memory_space<vmem>>
          %dma_start3A_190 = arith.constant 0 : i32
          %dma_start3A_191 = arith.constant 0 : i32
          %dma_start3A_192 = tpu.memref_slice %arg3[%dma_start3A_190, %dma_start3A_191] : memref<1000000x64xf32, #tpu.memory_space<hbm>> -> memref<1000000x64xf32, #tpu.memory_space<hbm>>
          tpu.enqueue_indirect_dma source(%dma_start3A_192 : memref<1000000x64xf32, #tpu.memory_space<hbm>>) target(%dma_start3A_186 : memref<128x64xf32, #tpu.memory_space<vmem>>) offsets(%dma_start3A_189 : memref<128xi32, #tpu.memory_space<vmem>>) semaphore(%arg9 : memref<!tpu.dma_semaphore, #tpu.memory_space<semaphore_mem>>)
          %dma_start3A_193 = arith.constant 384 : i32
          %dma_start3A_194 = arith.constant 0 : i32
          %dma_start3A_195 = tpu.memref_slice %arg7[%dma_start3A_193, %dma_start3A_194] : memref<512x64xf32, #tpu.memory_space<vmem>> -> memref<128x64xf32, #tpu.memory_space<vmem>>
          %dma_start3A_196 = arith.constant 0 : i32
          %dma_start3A_197 = tpu.memref_slice %arg5[%add3A_165, %dma_start3A_196] : memref<200x128xi32, #tpu.memory_space<vmem>> -> memref<1x128xi32, #tpu.memory_space<vmem>>
          %dma_start3A_198 = tpu.memref_squeeze %dma_start3A_197 : memref<1x128xi32, #tpu.memory_space<vmem>> -> memref<128xi32, #tpu.memory_space<vmem>>
          %dma_start3A_199 = arith.constant 0 : i32
          %dma_start3A_200 = arith.constant 0 : i32
          %dma_start3A_201 = tpu.memref_slice %arg3[%dma_start3A_199, %dma_start3A_200] : memref<1000000x64xf32, #tpu.memory_space<hbm>> -> memref<1000000x64xf32, #tpu.memory_space<hbm>>
          tpu.enqueue_indirect_dma source(%dma_start3A_201 : memref<1000000x64xf32, #tpu.memory_space<hbm>>) target(%dma_start3A_195 : memref<128x64xf32, #tpu.memory_space<vmem>>) offsets(%dma_start3A_198 : memref<128xi32, #tpu.memory_space<vmem>>) semaphore(%arg9 : memref<!tpu.dma_semaphore, #tpu.memory_space<semaphore_mem>>)
        } else {
        }
      } else {
      }
      %not3A = arith.constant true
      %not3A_73 = arith.xori %eq3A_71, %not3A : i1
      %convert_element_type3A_74 = arith.extui %not3A_73 : i1 to i32
      %cond3A_75 = arith.constant 0 : i32
      %cond3A_76 = arith.cmpi ne, %convert_element_type3A_74, %cond3A_75 : i32
      scf.if %cond3A_76 {
        %mul3A_78 = arith.constant 4 : i32
        %mul3A_79 = arith.muli %scan3A_59, %mul3A_78 : i32
        %add3A_80 = arith.constant 0 : i32
        %add3A_81 = arith.addi %mul3A_79, %add3A_80 : i32
        %mul3A_82 = arith.constant 4 : i32
        %mul3A_83 = arith.muli %scan3A_59, %mul3A_82 : i32
        %add3A_84 = arith.constant 1 : i32
        %add3A_85 = arith.addi %mul3A_83, %add3A_84 : i32
        %mul3A_86 = arith.constant 4 : i32
        %mul3A_87 = arith.muli %scan3A_59, %mul3A_86 : i32
        %add3A_88 = arith.constant 2 : i32
        %add3A_89 = arith.addi %mul3A_87, %add3A_88 : i32
        %mul3A_90 = arith.constant 4 : i32
        %mul3A_91 = arith.muli %scan3A_59, %mul3A_90 : i32
        %add3A_92 = arith.constant 3 : i32
        %add3A_93 = arith.addi %mul3A_91, %add3A_92 : i32
        %dma_wait3A_94 = arith.constant 0 : i32
        %dma_wait3A_95 = arith.constant 0 : i32
        %dma_wait3A_96 = tpu.memref_slice %arg7[%dma_wait3A_94, %dma_wait3A_95] : memref<512x64xf32, #tpu.memory_space<vmem>> -> memref<128x64xf32, #tpu.memory_space<vmem>>
        %dma_wait3A_97 = arith.constant 0 : i32
        %dma_wait3A_98 = tpu.memref_slice %arg5[%add3A_81, %dma_wait3A_97] : memref<200x128xi32, #tpu.memory_space<vmem>> -> memref<1x128xi32, #tpu.memory_space<vmem>>
        %dma_wait3A_99 = tpu.memref_squeeze %dma_wait3A_98 : memref<1x128xi32, #tpu.memory_space<vmem>> -> memref<128xi32, #tpu.memory_space<vmem>>
        %dma_wait3A_100 = arith.constant 0 : i32
        %dma_wait3A_101 = arith.constant 0 : i32
        %dma_wait3A_102 = tpu.memref_slice %arg3[%dma_wait3A_100, %dma_wait3A_101] : memref<1000000x64xf32, #tpu.memory_space<hbm>> -> memref<1000000x64xf32, #tpu.memory_space<hbm>>
        tpu.wait_indirect_dma semaphore(%arg9 : memref<!tpu.dma_semaphore, #tpu.memory_space<semaphore_mem>>) src(%dma_wait3A_102 : memref<1000000x64xf32, #tpu.memory_space<hbm>>) dst(%dma_wait3A_96 : memref<128x64xf32, #tpu.memory_space<vmem>>)
        %dma_wait3A_103 = arith.constant 128 : i32
        %dma_wait3A_104 = arith.constant 0 : i32
        %dma_wait3A_105 = tpu.memref_slice %arg7[%dma_wait3A_103, %dma_wait3A_104] : memref<512x64xf32, #tpu.memory_space<vmem>> -> memref<128x64xf32, #tpu.memory_space<vmem>>
        %dma_wait3A_106 = arith.constant 0 : i32
        %dma_wait3A_107 = tpu.memref_slice %arg5[%add3A_85, %dma_wait3A_106] : memref<200x128xi32, #tpu.memory_space<vmem>> -> memref<1x128xi32, #tpu.memory_space<vmem>>
        %dma_wait3A_108 = tpu.memref_squeeze %dma_wait3A_107 : memref<1x128xi32, #tpu.memory_space<vmem>> -> memref<128xi32, #tpu.memory_space<vmem>>
        %dma_wait3A_109 = arith.constant 0 : i32
        %dma_wait3A_110 = arith.constant 0 : i32
        %dma_wait3A_111 = tpu.memref_slice %arg3[%dma_wait3A_109, %dma_wait3A_110] : memref<1000000x64xf32, #tpu.memory_space<hbm>> -> memref<1000000x64xf32, #tpu.memory_space<hbm>>
        tpu.wait_indirect_dma semaphore(%arg9 : memref<!tpu.dma_semaphore, #tpu.memory_space<semaphore_mem>>) src(%dma_wait3A_111 : memref<1000000x64xf32, #tpu.memory_space<hbm>>) dst(%dma_wait3A_105 : memref<128x64xf32, #tpu.memory_space<vmem>>)
        %dma_wait3A_112 = arith.constant 256 : i32
        %dma_wait3A_113 = arith.constant 0 : i32
        %dma_wait3A_114 = tpu.memref_slice %arg7[%dma_wait3A_112, %dma_wait3A_113] : memref<512x64xf32, #tpu.memory_space<vmem>> -> memref<128x64xf32, #tpu.memory_space<vmem>>
        %dma_wait3A_115 = arith.constant 0 : i32
        %dma_wait3A_116 = tpu.memref_slice %arg5[%add3A_89, %dma_wait3A_115] : memref<200x128xi32, #tpu.memory_space<vmem>> -> memref<1x128xi32, #tpu.memory_space<vmem>>
        %dma_wait3A_117 = tpu.memref_squeeze %dma_wait3A_116 : memref<1x128xi32, #tpu.memory_space<vmem>> -> memref<128xi32, #tpu.memory_space<vmem>>
        %dma_wait3A_118 = arith.constant 0 : i32
        %dma_wait3A_119 = arith.constant 0 : i32
        %dma_wait3A_120 = tpu.memref_slice %arg3[%dma_wait3A_118, %dma_wait3A_119] : memref<1000000x64xf32, #tpu.memory_space<hbm>> -> memref<1000000x64xf32, #tpu.memory_space<hbm>>
        tpu.wait_indirect_dma semaphore(%arg9 : memref<!tpu.dma_semaphore, #tpu.memory_space<semaphore_mem>>) src(%dma_wait3A_120 : memref<1000000x64xf32, #tpu.memory_space<hbm>>) dst(%dma_wait3A_114 : memref<128x64xf32, #tpu.memory_space<vmem>>)
        %dma_wait3A_121 = arith.constant 384 : i32
        %dma_wait3A_122 = arith.constant 0 : i32
        %dma_wait3A_123 = tpu.memref_slice %arg7[%dma_wait3A_121, %dma_wait3A_122] : memref<512x64xf32, #tpu.memory_space<vmem>> -> memref<128x64xf32, #tpu.memory_space<vmem>>
        %dma_wait3A_124 = arith.constant 0 : i32
        %dma_wait3A_125 = tpu.memref_slice %arg5[%add3A_93, %dma_wait3A_124] : memref<200x128xi32, #tpu.memory_space<vmem>> -> memref<1x128xi32, #tpu.memory_space<vmem>>
        %dma_wait3A_126 = tpu.memref_squeeze %dma_wait3A_125 : memref<1x128xi32, #tpu.memory_space<vmem>> -> memref<128xi32, #tpu.memory_space<vmem>>
        %dma_wait3A_127 = arith.constant 0 : i32
        %dma_wait3A_128 = arith.constant 0 : i32
        %dma_wait3A_129 = tpu.memref_slice %arg3[%dma_wait3A_127, %dma_wait3A_128] : memref<1000000x64xf32, #tpu.memory_space<hbm>> -> memref<1000000x64xf32, #tpu.memory_space<hbm>>
        tpu.wait_indirect_dma semaphore(%arg9 : memref<!tpu.dma_semaphore, #tpu.memory_space<semaphore_mem>>) src(%dma_wait3A_129 : memref<1000000x64xf32, #tpu.memory_space<hbm>>) dst(%dma_wait3A_123 : memref<128x64xf32, #tpu.memory_space<vmem>>)
        %mul3A_130 = arith.constant 512 : i32
        %mul3A_131 = arith.muli %scan3A_59, %mul3A_130 : i32
        %add3A_132 = arith.addi %mul3A_2, %mul3A_131 : i32
        %dma_start3A_133 = arith.constant 0 : i32
        %dma_start3A_134 = tpu.memref_slice %arg4[%add3A_132, %dma_start3A_133] : memref<819200x64xf32, #tpu.memory_space<hbm>> -> memref<512x64xf32, #tpu.memory_space<hbm>>
        %dma_start3A_135 = arith.constant 0 : i32
        %dma_start3A_136 = tpu.memref_slice %arg4[%add3A_132, %dma_start3A_135] : memref<819200x64xf32, #tpu.memory_space<hbm>> -> memref<512x64xf32, #tpu.memory_space<hbm>>
        tpu.enqueue_dma source(%arg7 : memref<512x64xf32, #tpu.memory_space<vmem>>) target(%dma_start3A_136 : memref<512x64xf32, #tpu.memory_space<hbm>>) target_semaphore(%arg11 : memref<!tpu.dma_semaphore, #tpu.memory_space<semaphore_mem>>)
        %add3A_137 = arith.constant 1 : i32
        %add3A_138 = arith.addi %scan3A_59, %add3A_137 : i32
        %lt3A_139 = arith.constant 50 : i32
        %lt3A_140 = arith.cmpi slt, %add3A_138, %lt3A_139 : i32
        %convert_element_type3A_141 = arith.extui %lt3A_140 : i1 to i32
        %cond3A_142 = arith.constant 0 : i32
        %cond3A_143 = arith.cmpi ne, %convert_element_type3A_141, %cond3A_142 : i32
        scf.if %cond3A_143 {
          %ge3A = arith.constant 1 : i32
          %ge3A_144 = arith.cmpi sge, %scan3A_59, %ge3A : i32
          %convert_element_type3A_145 = arith.extui %ge3A_144 : i1 to i32
          %cond3A_146 = arith.constant 0 : i32
          %cond3A_147 = arith.cmpi ne, %convert_element_type3A_145, %cond3A_146 : i32
          scf.if %cond3A_147 {
            %sub3A = arith.constant 1 : i32
            %sub3A_202 = arith.subi %scan3A_59, %sub3A : i32
            %mul3A_203 = arith.constant 512 : i32
            %mul3A_204 = arith.muli %sub3A_202, %mul3A_203 : i32
            %add3A_205 = arith.addi %mul3A_2, %mul3A_204 : i32
            %dma_wait3A_206 = arith.constant 0 : i32
            %dma_wait3A_207 = tpu.memref_slice %arg4[%add3A_205, %dma_wait3A_206] : memref<819200x64xf32, #tpu.memory_space<hbm>> -> memref<512x64xf32, #tpu.memory_space<hbm>>
            %dma_wait3A_208 = arith.constant 0 : i32
            %dma_wait3A_209 = tpu.memref_slice %arg4[%add3A_205, %dma_wait3A_208] : memref<819200x64xf32, #tpu.memory_space<hbm>> -> memref<512x64xf32, #tpu.memory_space<hbm>>
            tpu.wait_dma2 semaphore(%arg10 : memref<!tpu.dma_semaphore, #tpu.memory_space<semaphore_mem>>) src(%arg6 : memref<512x64xf32, #tpu.memory_space<vmem>>) dst(%dma_wait3A_209 : memref<512x64xf32, #tpu.memory_space<hbm>>)
          } else {
          }
          %add3A_148 = arith.constant 1 : i32
          %add3A_149 = arith.addi %scan3A_59, %add3A_148 : i32
          %mul3A_150 = arith.constant 4 : i32
          %mul3A_151 = arith.muli %add3A_149, %mul3A_150 : i32
          %add3A_152 = arith.constant 0 : i32
          %add3A_153 = arith.addi %mul3A_151, %add3A_152 : i32
          %mul3A_154 = arith.constant 4 : i32
          %mul3A_155 = arith.muli %add3A_149, %mul3A_154 : i32
          %add3A_156 = arith.constant 1 : i32
          %add3A_157 = arith.addi %mul3A_155, %add3A_156 : i32
          %mul3A_158 = arith.constant 4 : i32
          %mul3A_159 = arith.muli %add3A_149, %mul3A_158 : i32
          %add3A_160 = arith.constant 2 : i32
          %add3A_161 = arith.addi %mul3A_159, %add3A_160 : i32
          %mul3A_162 = arith.constant 4 : i32
          %mul3A_163 = arith.muli %add3A_149, %mul3A_162 : i32
          %add3A_164 = arith.constant 3 : i32
          %add3A_165 = arith.addi %mul3A_163, %add3A_164 : i32
          %dma_start3A_166 = arith.constant 0 : i32
          %dma_start3A_167 = arith.constant 0 : i32
          %dma_start3A_168 = tpu.memref_slice %arg6[%dma_start3A_166, %dma_start3A_167] : memref<512x64xf32, #tpu.memory_space<vmem>> -> memref<128x64xf32, #tpu.memory_space<vmem>>
          %dma_start3A_169 = arith.constant 0 : i32
          %dma_start3A_170 = tpu.memref_slice %arg5[%add3A_153, %dma_start3A_169] : memref<200x128xi32, #tpu.memory_space<vmem>> -> memref<1x128xi32, #tpu.memory_space<vmem>>
          %dma_start3A_171 = tpu.memref_squeeze %dma_start3A_170 : memref<1x128xi32, #tpu.memory_space<vmem>> -> memref<128xi32, #tpu.memory_space<vmem>>
          %dma_start3A_172 = arith.constant 0 : i32
          %dma_start3A_173 = arith.constant 0 : i32
          %dma_start3A_174 = tpu.memref_slice %arg3[%dma_start3A_172, %dma_start3A_173] : memref<1000000x64xf32, #tpu.memory_space<hbm>> -> memref<1000000x64xf32, #tpu.memory_space<hbm>>
          tpu.enqueue_indirect_dma source(%dma_start3A_174 : memref<1000000x64xf32, #tpu.memory_space<hbm>>) target(%dma_start3A_168 : memref<128x64xf32, #tpu.memory_space<vmem>>) offsets(%dma_start3A_171 : memref<128xi32, #tpu.memory_space<vmem>>) semaphore(%arg8 : memref<!tpu.dma_semaphore, #tpu.memory_space<semaphore_mem>>)
          %dma_start3A_175 = arith.constant 128 : i32
          %dma_start3A_176 = arith.constant 0 : i32
          %dma_start3A_177 = tpu.memref_slice %arg6[%dma_start3A_175, %dma_start3A_176] : memref<512x64xf32, #tpu.memory_space<vmem>> -> memref<128x64xf32, #tpu.memory_space<vmem>>
          %dma_start3A_178 = arith.constant 0 : i32
          %dma_start3A_179 = tpu.memref_slice %arg5[%add3A_157, %dma_start3A_178] : memref<200x128xi32, #tpu.memory_space<vmem>> -> memref<1x128xi32, #tpu.memory_space<vmem>>
          %dma_start3A_180 = tpu.memref_squeeze %dma_start3A_179 : memref<1x128xi32, #tpu.memory_space<vmem>> -> memref<128xi32, #tpu.memory_space<vmem>>
          %dma_start3A_181 = arith.constant 0 : i32
          %dma_start3A_182 = arith.constant 0 : i32
          %dma_start3A_183 = tpu.memref_slice %arg3[%dma_start3A_181, %dma_start3A_182] : memref<1000000x64xf32, #tpu.memory_space<hbm>> -> memref<1000000x64xf32, #tpu.memory_space<hbm>>
          tpu.enqueue_indirect_dma source(%dma_start3A_183 : memref<1000000x64xf32, #tpu.memory_space<hbm>>) target(%dma_start3A_177 : memref<128x64xf32, #tpu.memory_space<vmem>>) offsets(%dma_start3A_180 : memref<128xi32, #tpu.memory_space<vmem>>) semaphore(%arg8 : memref<!tpu.dma_semaphore, #tpu.memory_space<semaphore_mem>>)
          %dma_start3A_184 = arith.constant 256 : i32
          %dma_start3A_185 = arith.constant 0 : i32
          %dma_start3A_186 = tpu.memref_slice %arg6[%dma_start3A_184, %dma_start3A_185] : memref<512x64xf32, #tpu.memory_space<vmem>> -> memref<128x64xf32, #tpu.memory_space<vmem>>
          %dma_start3A_187 = arith.constant 0 : i32
          %dma_start3A_188 = tpu.memref_slice %arg5[%add3A_161, %dma_start3A_187] : memref<200x128xi32, #tpu.memory_space<vmem>> -> memref<1x128xi32, #tpu.memory_space<vmem>>
          %dma_start3A_189 = tpu.memref_squeeze %dma_start3A_188 : memref<1x128xi32, #tpu.memory_space<vmem>> -> memref<128xi32, #tpu.memory_space<vmem>>
          %dma_start3A_190 = arith.constant 0 : i32
          %dma_start3A_191 = arith.constant 0 : i32
          %dma_start3A_192 = tpu.memref_slice %arg3[%dma_start3A_190, %dma_start3A_191] : memref<1000000x64xf32, #tpu.memory_space<hbm>> -> memref<1000000x64xf32, #tpu.memory_space<hbm>>
          tpu.enqueue_indirect_dma source(%dma_start3A_192 : memref<1000000x64xf32, #tpu.memory_space<hbm>>) target(%dma_start3A_186 : memref<128x64xf32, #tpu.memory_space<vmem>>) offsets(%dma_start3A_189 : memref<128xi32, #tpu.memory_space<vmem>>) semaphore(%arg8 : memref<!tpu.dma_semaphore, #tpu.memory_space<semaphore_mem>>)
          %dma_start3A_193 = arith.constant 384 : i32
          %dma_start3A_194 = arith.constant 0 : i32
          %dma_start3A_195 = tpu.memref_slice %arg6[%dma_start3A_193, %dma_start3A_194] : memref<512x64xf32, #tpu.memory_space<vmem>> -> memref<128x64xf32, #tpu.memory_space<vmem>>
          %dma_start3A_196 = arith.constant 0 : i32
          %dma_start3A_197 = tpu.memref_slice %arg5[%add3A_165, %dma_start3A_196] : memref<200x128xi32, #tpu.memory_space<vmem>> -> memref<1x128xi32, #tpu.memory_space<vmem>>
          %dma_start3A_198 = tpu.memref_squeeze %dma_start3A_197 : memref<1x128xi32, #tpu.memory_space<vmem>> -> memref<128xi32, #tpu.memory_space<vmem>>
          %dma_start3A_199 = arith.constant 0 : i32
          %dma_start3A_200 = arith.constant 0 : i32
          %dma_start3A_201 = tpu.memref_slice %arg3[%dma_start3A_199, %dma_start3A_200] : memref<1000000x64xf32, #tpu.memory_space<hbm>> -> memref<1000000x64xf32, #tpu.memory_space<hbm>>
          tpu.enqueue_indirect_dma source(%dma_start3A_201 : memref<1000000x64xf32, #tpu.memory_space<hbm>>) target(%dma_start3A_195 : memref<128x64xf32, #tpu.memory_space<vmem>>) offsets(%dma_start3A_198 : memref<128xi32, #tpu.memory_space<vmem>>) semaphore(%arg8 : memref<!tpu.dma_semaphore, #tpu.memory_space<semaphore_mem>>)
        } else {
        }
      } else {
      }
      %scan3A_77 = arith.constant 0 : i32
      scf.yield %scan3A_77 : i32
    }
    %scan3A_47 = arith.constant 50 : i32
    %add3A_48 = arith.constant 24576 : i32
    %add3A_49 = arith.addi %mul3A_2, %add3A_48 : i32
    %dma_wait3A = arith.constant 0 : i32
    %dma_wait3A_50 = tpu.memref_slice %arg4[%add3A_49, %dma_wait3A] : memref<819200x64xf32, #tpu.memory_space<hbm>> -> memref<512x64xf32, #tpu.memory_space<hbm>>
    %dma_wait3A_51 = arith.constant 0 : i32
    %dma_wait3A_52 = tpu.memref_slice %arg4[%add3A_49, %dma_wait3A_51] : memref<819200x64xf32, #tpu.memory_space<hbm>> -> memref<512x64xf32, #tpu.memory_space<hbm>>
    tpu.wait_dma2 semaphore(%arg10 : memref<!tpu.dma_semaphore, #tpu.memory_space<semaphore_mem>>) src(%arg6 : memref<512x64xf32, #tpu.memory_space<vmem>>) dst(%dma_wait3A_52 : memref<512x64xf32, #tpu.memory_space<hbm>>)
    %add3A_53 = arith.constant 25088 : i32
    %add3A_54 = arith.addi %mul3A_2, %add3A_53 : i32
    %dma_wait3A_55 = arith.constant 0 : i32
    %dma_wait3A_56 = tpu.memref_slice %arg4[%add3A_54, %dma_wait3A_55] : memref<819200x64xf32, #tpu.memory_space<hbm>> -> memref<512x64xf32, #tpu.memory_space<hbm>>
    %dma_wait3A_57 = arith.constant 0 : i32
    %dma_wait3A_58 = tpu.memref_slice %arg4[%add3A_54, %dma_wait3A_57] : memref<819200x64xf32, #tpu.memory_space<hbm>> -> memref<512x64xf32, #tpu.memory_space<hbm>>
    tpu.wait_dma2 semaphore(%arg11 : memref<!tpu.dma_semaphore, #tpu.memory_space<semaphore_mem>>) src(%arg7 : memref<512x64xf32, #tpu.memory_space<vmem>>) dst(%dma_wait3A_58 : memref<512x64xf32, #tpu.memory_space<hbm>>)
    return
  }
}

</mosaic_0001>

<sc_bundles>
// kernel: _gather.3.cloned.1.call-start
scs
__scs_entry_jumppad:
0x0: {  	(pc) =	sbr.rel $0x88, $3  }
0x1: {  	(tag) =	ssettag $0x0;
	lr =	simm.s32 $0x1  }
0x2: {  	[smem:$0x3F9F] =	sst lr;
	_ =	strace $0xD0000000  }
0x3: {  	_ = 	snop  }
0x4: {  	_ = 	snop  }
0x5: {  	_ = 	snop  }
0x6: {  	_ = 	snop  }
0x7: {  	_ = 	snop  }
__scs_overlays_trampoline_lowered:
0x8: {  	[smem:$0x3FAE] =	sst s0  }
0x9: {  	[smem:$0x3FAF] =	sst s1  }
0xa: {  	[smem:$0x3FB0] =	sst s2  }
0xb: {  	[smem:$0x3FB1] =	sst s3  }
0xc: {  	[smem:$0x3FB2] =	sst s4  }
0xd: {  	[smem:$0x3FB3] =	sst s5  }
0xe: {  	[smem:$0x3FB4] =	sst s6  }
0xf: {  	[smem:$0x3FB5] =	sst s7  }
0x10: {  	[smem:$0x3FB6] =	sst s8  }
0x11: {  	[smem:$0x3FB7] =	sst s9;
	s0 =	simm.s32 @!p0 $0x0  }
0x12: {  	s1 =	sld [smem:$0x3F9D];
	s0 =	simm.s32 @p0 $0x1  }
0x13: {  	[smem:$0x3FB8] =	sst s0;
	s0 =	simm.s32 @!p1 $0x0  }
0x14: {  	s2 =	sld [smem:$0x3F9C];
	s0 =	simm.s32 @p1 $0x1  }
0x15: {  	[smem:$0x3FB9] =	sst s0;
	s0 =	simm.s32 @!p2 $0x0  }
0x16: {  	s3 =	sld [smem:$0x3FDB];
	s0 =	simm.s32 @p2 $0x1  }
0x17: {  	s4 =	simm.s32 $0x1BF5;
	[smem:$0x3FBB] =	sst s0  }
0x18: {  	s0 =	sld [smem:$0x3F9E];
	_ =	swait.ge [sflag:s4], $0x0  }
0x19: {  	s7 =	sld [smem:$0x3F9F]  }
0x1a: {  	s8 =	sadd.s32 $0xFFFFE003, lr  }
0x1b: {  	s9 =	sadd.s32 $0xFFFFFEF7, lr;
	s5 =	simm.s32 $0xFFFFFFFF;
	p2 =	slt.u32 s8, $0xFFFFF086  }
0x1c: {  	p1 =	slt.u32 s9, $0xF7A;
	s5 =	simm.s32 @!p2 $0x0  }
0x1d: {  	s5 =	simm.s32 @p1 $0x1;
	p0 =	seq.s32 s7, s2  }
0x1e: {  	s7 =	smul.u32 @!p0 $0xF7A, s2;
	p2 =	seq.s32 @!p0 s5, $0x0  }
0x1f: {  	s9 =	smul.u32 $0xF7A, s1;
	s8 =	simm.s32 @!p0 $0x1BF5;
	p2 =	por !p2, p0  }
0x20: {  	[sflag:s8] =	ssyncset.s32 @!p0 $0xFFFFF086;
	s6 =	sadd.s32 @!p0 s3, s7;
	s7 =	simm.s32 @!p0 $0x108  }
0x21: {  	s3 =	sadd.s32 s3, s9;
	s6 =	sadd.s32 @!p0 $0x88, s6;
	s7 =	simm.s32 @p2 $0x1082  }
0x22: {  	[simem:s7], [sflag:s8] =	dma.local @!p0 [hbm:s6], $0xF7A  }
0x23: {  	s9 =	sor.u32 $0xD0000000, s2;
	s6 =	simm.s32 $0x108;
	_ =	swait.ge @!p0 [sflag:s8], $0x0  }
0x24: {  	s3 =	sadd.s32 $0x88, s3;
	s6 =	simm.s32 @!p1 $0x1082;
	[sflag:s4] =	ssyncset.s32 $0xFFFFF086  }
0x25: {  	[simem:s6], [sflag:s4] =	dma.local [hbm:s3], $0xF7A  }
0x26: {  	[smem:$0x3F9F] =	sst s1;
	(tag) =	ssettag s2;
	_ =	strace s9  }
0x27: {  	s1 =	sld [smem:$0x3FAF]  }
0x28: {  	s2 =	sld [smem:$0x3FB0]  }
0x29: {  	s4 =	sld [smem:$0x3FB2]  }
0x2a: {  	p0 =	seq.s32 s5, $0x0;
	s5 =	sld [smem:$0x3FB3]  }
0x2b: {  	s6 =	sld [smem:$0x3FB4]  }
0x2c: {  	s7 =	sld [smem:$0x3FB5]  }
0x2d: {  	s3 =	simm.s32 $0x108;
	s8 =	sld [smem:$0x3FB6]  }
0x2e: {  	s3 =	simm.s32 @!p0 $0x1082;
	s9 =	sld [smem:$0x3FB7]  }
0x2f: {  	lr =	sadd.s32 s0, s3;
	s0 =	sld [smem:$0x3FAE]  }
0x30: {  	s3 =	sld [smem:$0x3FB1]  }
0x31: {  	[smem:$0x3FBA] =	sst s10  }
0x32: {  	s10 =	sld [smem:$0x3FB8];
	_ =	sdelay $0x3  }
0x33: {  	p0 =	seq.s32 s10, $0x1;
	s10 =	sld [smem:$0x3FBA];
	_ =	sdelay $0x3  }
0x34: {  	[smem:$0x3FBA] =	sst s10  }
0x35: {  	s10 =	sld [smem:$0x3FB9];
	_ =	sdelay $0x3  }
0x36: {  	p1 =	seq.s32 s10, $0x1;
	s10 =	sld [smem:$0x3FBA];
	_ =	sdelay $0x3  }
0x37: {  	[smem:$0x3FBA] =	sst s10  }
0x38: {  	s10 =	sld [smem:$0x3FBB]  }
0x39: {  	_ = 	snop;
	(pc) =	sbr.ind lr, $3  }
0x3a: {  	_ = 	snop  }
0x3b: {  	_ = 	snop  }
0x3c: {  	p2 =	seq.s32 s10, $0x1;
	s10 =	sld [smem:$0x3FBA]  }
0x3d: {  	_ =	shalt  }
0x3e: {  	_ =	shalt  }
0x3f: {  	_ =	shalt  }
0x40: {  	_ =	shalt  }
0x41: {  	_ =	shalt  }
0x42: {  	_ =	shalt  }
0x43: {  	_ =	shalt  }
0x44: {  	_ =	shalt  }
0x45: {  	_ =	shalt  }
0x46: {  	_ =	shalt  }
0x47: {  	_ =	shalt  }
0x48: {  	_ =	shalt  }
0x49: {  	_ =	shalt  }
0x4a: {  	_ =	shalt  }
0x4b: {  	_ =	shalt  }
0x4c: {  	_ =	shalt  }
0x4d: {  	_ =	shalt  }
0x4e: {  	_ =	shalt  }
0x4f: {  	_ =	shalt  }
0x50: {  	_ =	shalt  }
0x51: {  	_ =	shalt  }
0x52: {  	_ =	shalt  }
0x53: {  	_ =	shalt  }
0x54: {  	_ =	shalt  }
0x55: {  	_ =	shalt  }
0x56: {  	_ =	shalt  }
0x57: {  	_ =	shalt  }
0x58: {  	_ =	shalt  }
0x59: {  	_ =	shalt  }
0x5a: {  	_ =	shalt  }
0x5b: {  	_ =	shalt  }
0x5c: {  	_ =	shalt  }
0x5d: {  	_ =	shalt  }
0x5e: {  	_ =	shalt  }
0x5f: {  	_ =	shalt  }
0x60: {  	_ =	shalt  }
0x61: {  	_ =	shalt  }
0x62: {  	_ =	shalt  }
0x63: {  	_ =	shalt  }
0x64: {  	_ =	shalt  }
0x65: {  	_ =	shalt  }
0x66: {  	_ =	shalt  }
0x67: {  	_ =	shalt  }
0x68: {  	_ =	shalt  }
0x69: {  	_ =	shalt  }
0x6a: {  	_ =	shalt  }
0x6b: {  	_ =	shalt  }
0x6c: {  	_ =	shalt  }
0x6d: {  	_ =	shalt  }
0x6e: {  	_ =	shalt  }
0x6f: {  	_ =	shalt  }
0x70: {  	_ =	shalt  }
0x71: {  	_ =	shalt  }
0x72: {  	_ =	shalt  }
0x73: {  	_ =	shalt  }
0x74: {  	_ =	shalt  }
0x75: {  	_ =	shalt  }
0x76: {  	_ =	shalt  }
0x77: {  	_ =	shalt  }
0x78: {  	_ =	shalt  }
0x79: {  	_ =	shalt  }
0x7a: {  	_ =	shalt  }
0x7b: {  	_ =	shalt  }
0x7c: {  	_ =	shalt  }
0x7d: {  	_ =	shalt  }
0x7e: {  	_ =	shalt  }
0x7f: {  	_ =	shalt  }
0x80: {  	_ =	shalt  }
0x81: {  	_ =	shalt  }
0x82: {  	_ =	shalt  }
0x83: {  	_ =	shalt  }
0x84: {  	_ =	shalt  }
0x85: {  	_ =	shalt  }
0x86: {  	_ =	shalt  }
0x87: {  	_ =	shalt  }
.Lfunc_end0:
.L_simem_size_0:
called_computation.1_lowered:
.L_overlay_start_0:
0x88: {  	s2 =	sld [smem:$0x3FD9]  }
0x89: {  	s3 =	sld [smem:$0x3FFE];
	_ =	sdelay $0x1  }
0x8a: {  	s1 =	srdreg.scid  }
0x8b: {  	s0 =	sand.u32 $0x1, s1  }
0x8c: {  	s17 =	sshll.u32 s0, $0xA;
	s2 =	sadd.s32 s3, s2  }
0x8d: {  	s2 =	sadd.s32 s2, s17  }
0x8e: {  	[smem:$0x3FC6] =	sst s2  }
0x8f: {  	_ = 	snop  }
0x90: {  	s2 =	sld [smem:$0x3FC9]  }
0x91: {  	s18 =	sld [smem:$0x3FD0];
	(tm) =	ssettm $0x1  }
0x92: {  	s4 =	sld [smem:$0x3FFB];
	_ =	sdelay $0x3  }
0x93: {  	_ =	strace s4  }
0x94: {  	s4 =	sld [smem:$0x3FFC];
	_ =	sdelay $0x3  }
0x95: {  	_ =	strace s4  }
0x96: {  	s4 =	sld [smem:$0x3FFD];
	_ =	sdelay $0x3  }
0x97: {  	_ =	strace s4  }
0x98: {  	_ =	strace $0x8FFFFFFF  }
0x99: {  	s19 =	sld [smem:$0x3FDB];
	_ =	sdelay $0x1  }
0x9a: {  	s5 =	simm.s32 $_scs_section_size  }
0x9b: {  	s6 =	simm.s32 $_size__tile_overlayer_lowered;
	s7 =	simm.s32 $_tile_overlayer_lowered  }
0x9c: {  	s22 =	simm.s32 $0x1BFF;
	s21 =	sshll.u32 s7, $0x1;
	s4 =	sadd.s32 s5, s19  }
0x9d: {  	s8 =	simm.s32 $0x0;
	s20 =	sshll.u32 s6, $0x1;
	s6 =	sadd.s32 s21, s4  }
0x9e: {  	[timem:s8], [sflag:s22] =	dma.local [hbm:s6], s20  }
0x9f: {  	_ =	swait.ge [sflag:s22], s20  }
0xa0: {  	s5 =	ssub.s32 $0x0, s20;
	[sflag:s22] =	ssyncset.done $0x0  }
0xa1: {  	[sflag:s22] =	ssyncadd.s32 s5;
	_ =	sdelay $0x1  }
0xa2: {  	s23 =	simm.s32 $0x1B8B  }
0xa3: {  	_ =	swait.ge [sflag:s23], $0x1  }
0xa4: {  	[sflag:s23] =	ssyncset.done $0x0  }
0xa5: {  	s25 =	simm.s32 $0x1B8E;
	s24 =	sld [smem:$0x3FFE];
	[sflag:s23] =	ssyncadd.s32 $0xFFFFFFFF  }
0xa6: {  	s26 =	simm.s32 $execute0_lowered;
	[smem:$0x3FD2] =	sst s25  }
0xa7: {  	s6 =	sshll.u32 s26, $0x1;
	_ =	strace $0x80000046;
	[dreg:$0x1] =	wrdreg $0xFFFFFFFF  }
0xa8: {  	s28 =	simm.s32 $_size_execute0_lowered;
	s4 =	sadd.s32 s4, s6;
	[dreg:$0x0] =	wrdreg $0x0  }
0xa9: {  	s6 =	sshll.u32 s28, $0x1;
	[dreg:$0x2] =	wrdreg s4  }
0xaa: {  	[dreg:$0x3] =	wrdreg s6  }
0xab: {  	[dreg:$0x4] =	wrdreg $0xC0  }
0xac: {  	_ =	task [dreg:s8], $0x5FFFF  }
0xad: {  	[dreg:$0x1] =	wrdreg $0xFFFFFFFF  }
0xae: {  	[dreg:$0x0] =	wrdreg $0x60  }
0xaf: {  	[dreg:$0x2] =	wrdreg s2  }
0xb0: {  	[dreg:$0x3] =	wrdreg s24  }
0xb1: {  	[dreg:$0x4] =	wrdreg s18  }
0xb2: {  	[dreg:$0x5] =	wrdreg $0x9  }
0xb3: {  	_ =	task.clear_ibuf [dreg:s8], $0x6FFFF;
	_ =	strace $0x90000046  }
0xb4: {  	s29 =	simm.s32 $0x9;
	_ =	strace $0x80000048  }
0xb5: {  	_ =	swait.ge [sflag:s29], $0x1  }
0xb6: {  	[sflag:s29] =	ssyncadd.s32 $0xFFFFFFFF  }
0xb7: {  	_ =	strace $0x90000048  }
0xb8: {  	_ =	sfence  }
0xb9: {  	s30 =	sld [smem:$0x0];
	_ =	sdelay $0x2  }
0xba: {  	s31 =	sshll.u32 s1, $0xD;
	s1 =	sshrl.u32 s1, $0x2  }
0xbb: {  	s3 =	sand.u32 $0x4000, s31;
	s1 =	sadd.s32 s1, s30  }
0xbc: {  	s0 =	sor.u32 s3, s0;
	s1 =	sshll.u32 s1, $0x11  }
0xbd: {  	s0 =	sor.u32 s1, s0  }
0xbe: {  	s0 =	sadd.s32 $0x8F2B, s0  }
0xbf: {  	[sflag:s0] =	ssyncadd.remote.s32 $0x1  }
0xc0: {  	_ =	sfence.sel $0xFFFF  }
0xc1: {  	[dreg:$0x0] =	wrdreg $0xFFFFFFFF;
	(pc) =	sbr.abs _section_cstart, $3  }
0xc2: {  	[dreg:$0x1] =	wrdreg $0xFFFFFFFF  }
0xc3: {  	_ =	task.clear_ibuf [dreg:s8], $0x2FFFF;
	_ =	strace $0x9FFFFFFF  }
0xc4: {  	(tm) =	ssettm $0x7FFFFFFF  }
0xc5: {  	_ =	shalt  }
tec
execute0_lowered:
.L_overlay_start_1:
0x0: {  	(tag) =	ssettag $0x1  }
0x1: {  	s0 =	rddreg [dreg:$0x0]  }
0x2: {  	s3 =	rddreg [dreg:$0x1]  }
0x3: {  	s7 =	rddreg [dreg:$0x2]  }
0x4: {  	s2 =	simm.s32 $0x0;
	s4 =	srdreg.scid;
	s1 =	stileid.u32  }
0x5: {  	s11 =	simm.s32 $0x8400;
	s13 =	simm.s32 $0xA400;
	s14 =	simm.s32 $0x180  }
0x6: {  	s15 =	simm.s32 $0xC400;
	s16 =	simm.s32 $0x200;
	s17 =	simm.s32 $0xE400  }
0x7: {  	s18 =	simm.s32 $0x280;
	s19 =	simm.s32 $0x10400;
	s20 =	simm.s32 $0x300  }
0x8: {  	s21 =	simm.s32 $0x12400;
	s22 =	simm.s32 $0x380;
	s23 =	simm.s32 $0x14400  }
0x9: {  	s24 =	simm.s32 $0x1;
	s25 =	simm.s32 $0x4;
	s28 =	simm.s32 $0x2  }
0xa: {  	s4 =	sand.u32 $0x1, s4;
	s5 =	sshll.u32 s1, $0x1;
	s6 =	smul.u32 $0x320000, s1  }
0xb: {  	s29 =	simm.s32 $0x0;
	s5 =	sor.u32 s4, s5;
	s8 =	smul.u32 $0x190000, s4  }
0xc: {  	[smem:$0x7FF] =	sst s2;
	s3 =	sadd.s32 $0xF42C00, s3;
	s9 =	smul.u32 $0xC80, s5  }
0xd: {  	_ =	strace $0x80000047;
	s4 =	ssub.s32 $0x2, s4;
	s5 =	smul.u32 $0x190000, s5  }
.Ltmp0:
0xe: {  	s10 =	sshrl.u32 s4, $0x1;
	s6 =	sadd.s32 s8, s6;
	(pc) =	sbr.rel .LBB2_1-.Ltmp0, $4  }
0xf: {  	s26 =	ssub.s32 s4, s10;
	s8 =	simm.s32 $0x5;
	s10 =	simm.s32 $0x6400  }
0x10: {  	s6 =	sor.u32 $0x8000, s6;
	s4 =	sadd.s32 s0, s9;
	s30 =	sshrl.u32 s5, $0x3  }
0x11: {  	s5 =	smax.u32 s26, $0x1;
	s9 =	simm.s32 $0x80;
	s31 =	sshrl.u32 s6, $0x3  }
0x12: {  	s26 =	simm.s32 $0x3;
	s6 =	sadd.s32 s7, s30;
	s7 =	sadd.s32 s31, s7  }
.LBB2_7:
0x13: {  	s29 =	sadd.s32 $0x1, s29  }
0x14: {  	_ =	swait.ge [sflag:s26], $0x8000;
	p0 =	sne.s32 s29, s5  }
.Ltmp1:
0x15: {  	[sflag:s26] =	ssyncset.done $0x0;
	(pc) =	sbr.rel @!p0 .LBB2_8-.Ltmp1, $4  }
0x16: {  	[sflag:s26] =	ssyncadd.s32 $0xFFFF8000  }
0x17: {  	_ =	swait.ge [sflag:s25], $0x8000  }
0x18: {  	[sflag:s25] =	ssyncset.done $0x0  }
0x19: {  	[sflag:s25] =	ssyncadd.s32 $0xFFFF8000  }
.LBB2_1:
0x1a: {  	[tilespmem:s2], [sflag:$0x5] =	stream.linear.gather [hbm4b:s4+s2], $0x6400, $0x38;
	[tilespmem:$0x16400] =	vst v63  }
0x1b: {  	_ =	swait.ge [sflag:s8], $0x6400  }
0x1c: {  	[sflag:s8] =	ssyncset.done $0x0  }
0x1d: {  	[sflag:s8] =	ssyncadd.s32 $0xFFFF9C00  }
0x1e: {  	[tilespmem:s10], [sflag:$0x1] =	stream.indirect.gather [hbm4b:s3+s9], $0x40, s2, s9, $0xb8;
	[tilespmem:$0x16400] =	vst v63  }
0x1f: {  	_ = 	snop  }
0x20: {  	[tilespmem:s11], [sflag:$0x1] =	stream.indirect.gather [hbm4b:s3+s9], $0x40, s9, s9, $0xb8;
	[tilespmem:$0x16400] =	vst v63  }
0x21: {  	s0 =	simm.s32 $0x100  }
0x22: {  	[tilespmem:s13], [sflag:$0x1] =	stream.indirect.gather [hbm4b:s3+s9], $0x40, s0, s9, $0xb8;
	[tilespmem:$0x16400] =	vst v63  }
0x23: {  	_ = 	snop  }
0x24: {  	[tilespmem:s15], [sflag:$0x1] =	stream.indirect.gather [hbm4b:s3+s9], $0x40, s14, s9, $0xb8;
	[tilespmem:$0x16400] =	vst v63  }
0x25: {  	_ =	swait.ge [sflag:s24], $0x2000  }
0x26: {  	[sflag:s24] =	ssyncset.done $0x0  }
0x27: {  	[sflag:s24] =	ssyncadd.s32 $0xFFFFE000  }
0x28: {  	_ =	swait.ge [sflag:s24], $0x2000  }
0x29: {  	[sflag:s24] =	ssyncset.done $0x0  }
0x2a: {  	[sflag:s24] =	ssyncadd.s32 $0xFFFFE000  }
0x2b: {  	_ =	swait.ge [sflag:s24], $0x2000  }
0x2c: {  	[sflag:s24] =	ssyncset.done $0x0  }
0x2d: {  	[sflag:s24] =	ssyncadd.s32 $0xFFFFE000  }
0x2e: {  	_ =	swait.ge [sflag:s24], $0x2000  }
0x2f: {  	[sflag:s24] =	ssyncset.done $0x0  }
0x30: {  	[sflag:s24] =	ssyncadd.s32 $0xFFFFE000  }
0x31: {  	[hbm4b:s6+s2] =	stream.linear.scatter [tilespmem:s10], [sflag:$0x3], $0x8000, $0x38;
	[tilespmem:$0x16400] =	vst v63  }
0x32: {  	_ = 	snop  }
0x33: {  	[tilespmem:s17], [sflag:$0x2] =	stream.indirect.gather [hbm4b:s3+s9], $0x40, s16, s9, $0xb8;
	[tilespmem:$0x16400] =	vst v63  }
0x34: {  	_ = 	snop  }
0x35: {  	[tilespmem:s19], [sflag:$0x2] =	stream.indirect.gather [hbm4b:s3+s9], $0x40, s18, s9, $0xb8;
	[tilespmem:$0x16400] =	vst v63  }
.Ltmp2:
0x36: {  	_ = 	snop;
	(pc) =	sbr.rel .LBB2_2-.Ltmp2, $4  }
0x37: {  	_ = 	snop  }
0x38: {  	[tilespmem:s21], [sflag:$0x2] =	stream.indirect.gather [hbm4b:s3+s9], $0x40, s20, s9, $0xb8;
	[tilespmem:$0x16400] =	vst v63  }
0x39: {  	s30 =	smov.u32 s7;
	s31 =	simm.s32 $0x0;
	s0 =	simm.s32 $0x1  }
0x3a: {  	[tilespmem:s23], [sflag:$0x2] =	stream.indirect.gather [hbm4b:s3+s9], $0x40, s22, s9, $0xb8;
	[tilespmem:$0x16400] =	vst v63  }
.LBB2_3:
0x3b: {  	_ =	swait.ge [sflag:s24], $0x2000  }
0x3c: {  	[sflag:s24] =	ssyncset.done $0x0  }
0x3d: {  	[sflag:s24] =	ssyncadd.s32 $0xFFFFE000  }
0x3e: {  	_ =	swait.ge [sflag:s24], $0x2000  }
0x3f: {  	[sflag:s24] =	ssyncset.done $0x0  }
0x40: {  	[sflag:s24] =	ssyncadd.s32 $0xFFFFE000  }
0x41: {  	_ =	swait.ge [sflag:s24], $0x2000  }
0x42: {  	[sflag:s24] =	ssyncset.done $0x0  }
0x43: {  	[sflag:s24] =	ssyncadd.s32 $0xFFFFE000  }
0x44: {  	_ =	swait.ge [sflag:s24], $0x2000  }
0x45: {  	[sflag:s24] =	ssyncset.done $0x0  }
0x46: {  	[sflag:s24] =	ssyncadd.s32 $0xFFFFE000  }
0x47: {  	[hbm4b:s30+s2] =	stream.linear.scatter [tilespmem:s10], [sflag:$0x3], $0x8000, $0x38;
	[tilespmem:$0x16400] =	vst v63  }
0x48: {  	_ =	swait.ge [sflag:s25], $0x8000  }
0x49: {  	s1 =	sshra.s32 s31, $0x2;
	[sflag:s25] =	ssyncset.done $0x0  }
0x4a: {  	s12 =	sadd.s32 $0x400, s1;
	[sflag:s25] =	ssyncadd.s32 $0xFFFF8000  }
0x4b: {  	[tilespmem:s17], [sflag:$0x2] =	stream.indirect.gather [hbm4b:s3+s9], $0x40, s12, s9, $0xb8;
	[tilespmem:$0x16400] =	vst v63  }
0x4c: {  	s12 =	sadd.s32 $0x480, s1  }
0x4d: {  	[tilespmem:s19], [sflag:$0x2] =	stream.indirect.gather [hbm4b:s3+s9], $0x40, s12, s9, $0xb8;
	[tilespmem:$0x16400] =	vst v63  }
0x4e: {  	s12 =	sadd.s32 $0x500, s1  }
0x4f: {  	[tilespmem:s21], [sflag:$0x2] =	stream.indirect.gather [hbm4b:s3+s9], $0x40, s12, s9, $0xb8;
	[tilespmem:$0x16400] =	vst v63  }
0x50: {  	s1 =	sadd.s32 $0x580, s1  }
0x51: {  	[tilespmem:s23], [sflag:$0x2] =	stream.indirect.gather [hbm4b:s3+s9], $0x40, s1, s9, $0xb8;
	[tilespmem:$0x16400] =	vst v63  }
.LBB2_6:
0x52: {  	s31 =	sadd.s32 $0x800, s31  }
0x53: {  	p0 =	sne.s32 s31, $0x18800  }
.Ltmp3:
0x54: {  	_ = 	snop;
	(pc) =	sbr.rel @!p0 .LBB2_7-.Ltmp3, $2  }
0x55: {  	_ =	sdelay $0x2  }
0x56: {  	s0 =	sadd.s32 $0x1, s0;
	s30 =	sadd.s32 $0x1000, s30  }
.LBB2_2:
0x57: {  	s1 =	sand.u32 $0x1, s0  }
0x58: {  	p0 =	seq.s32 s1, $0x1  }
.Ltmp4:
0x59: {  	_ = 	snop;
	(pc) =	sbr.rel @!p0 .LBB2_3-.Ltmp4, $1  }
0x5a: {  	_ =	sdelay $0x3  }
0x5b: {  	_ =	swait.ge [sflag:s28], $0x2000  }
0x5c: {  	[sflag:s28] =	ssyncset.done $0x0  }
0x5d: {  	[sflag:s28] =	ssyncadd.s32 $0xFFFFE000  }
0x5e: {  	_ =	swait.ge [sflag:s28], $0x2000  }
0x5f: {  	[sflag:s28] =	ssyncset.done $0x0  }
0x60: {  	[sflag:s28] =	ssyncadd.s32 $0xFFFFE000  }
0x61: {  	_ =	swait.ge [sflag:s28], $0x2000  }
0x62: {  	p0 =	seq.s32 s31, $0x18000;
	[sflag:s28] =	ssyncset.done $0x0  }
.Ltmp5:
0x63: {  	[sflag:s28] =	ssyncadd.s32 $0xFFFFE000;
	(pc) =	sbr.rel @p0 .LBB2_7-.Ltmp5, $4  }
0x64: {  	_ =	swait.ge [sflag:s28], $0x2000  }
0x65: {  	[sflag:s28] =	ssyncset.done $0x0  }
0x66: {  	[sflag:s28] =	ssyncadd.s32 $0xFFFFE000  }
0x67: {  	[hbm4b:s30+s2] =	stream.linear.scatter [tilespmem:s17], [sflag:$0x4], $0x8000, $0x38;
	[tilespmem:$0x16400] =	vst v63  }
0x68: {  	_ =	swait.ge [sflag:s26], $0x8000  }
0x69: {  	s1 =	sshra.s32 s31, $0x2;
	[sflag:s26] =	ssyncset.done $0x0  }
0x6a: {  	s12 =	sadd.s32 $0x400, s1;
	[sflag:s26] =	ssyncadd.s32 $0xFFFF8000  }
0x6b: {  	[tilespmem:s10], [sflag:$0x1] =	stream.indirect.gather [hbm4b:s3+s9], $0x40, s12, s9, $0xb8;
	[tilespmem:$0x16400] =	vst v63  }
0x6c: {  	s12 =	sadd.s32 $0x480, s1  }
0x6d: {  	[tilespmem:s11], [sflag:$0x1] =	stream.indirect.gather [hbm4b:s3+s9], $0x40, s12, s9, $0xb8;
	[tilespmem:$0x16400] =	vst v63  }
.Ltmp6:
0x6e: {  	_ = 	snop;
	(pc) =	sbr.rel .LBB2_6-.Ltmp6, $4  }
0x6f: {  	s12 =	sadd.s32 $0x500, s1  }
0x70: {  	[tilespmem:s13], [sflag:$0x1] =	stream.indirect.gather [hbm4b:s3+s9], $0x40, s12, s9, $0xb8;
	[tilespmem:$0x16400] =	vst v63  }
0x71: {  	s1 =	sadd.s32 $0x580, s1  }
0x72: {  	[tilespmem:s15], [sflag:$0x1] =	stream.indirect.gather [hbm4b:s3+s9], $0x40, s1, s9, $0xb8;
	[tilespmem:$0x16400] =	vst v63  }
.LBB2_8:
0x73: {  	_ =	sfence.sel $0x180000  }
0x74: {  	[bflag:$0x0] =	sbarrier.arrive $0xFFFF  }
0x75: {  	_ =	strace $0x90000047  }
0x76: {  	s0 =	stileid.u32;
	[bflag:$0x2] =	sbarrier.arrive $0xFFFF  }
0x77: {  	p0 =	sne.s32 s0, $0x0;
	s0 =	rddreg [dreg:$0x3]  }
0x78: {  	s0 =	sadd.s32 @!p0 $0x100000, s0  }
0x79: {  	[sflag:s0] =	ssyncadd.tile.s32 @!p0 $0x1;
	_ =	shalt  }
.Lfunc_end2:
_tile_overlayer_lowered:
.L_overlay_start_2:
0x7a: {  	(tag) =	ssettag $0x2  }
0x7b: {  	s0 =	rddreg [dreg:$0x0];
	s2 =	stileid.u32  }
0x7c: {  	s1 =	rddreg [dreg:$0x1];
	p0 =	sne.s32 s2, $0x0  }
0x7d: {  	s3 =	rddreg [dreg:$0x2];
	[bflag:$0x3] =	sbarrier.arrive $0xFFFF;
	s2 =	simm.s32 @!p0 $0x1C05  }
0x7e: {  	[timem:s3], [sflag:s2] =	dma.local @!p0 [hbm:s0], s1  }
0x7f: {  	s0 =	simm.s32 @!p0 $0x5  }
0x80: {  	_ =	swait.ge @!p0 [sflag:s0], s1  }
0x81: {  	s1 =	ssub.s32 @!p0 $0x0, s1;
	[sflag:s0] =	ssyncset.done @!p0 $0x0  }
0x82: {  	[sflag:s0] =	ssyncadd.s32 @!p0 s1  }
0x83: {  	[bflag:$0x3] =	sbarrier.arrive $0xFFFF  }
0x84: {  	_ =	shalt  }

// kernel: sparse-core-data-format-call.cloned.1.call-start
scs
called_computation_lowered:
.L_overlay_start_0:
0x0: {  	s2 =	sld [smem:$0x3FD9]  }
0x1: {  	s3 =	sld [smem:$0x3FFE];
	_ =	sdelay $0x1  }
0x2: {  	s1 =	srdreg.scid  }
0x3: {  	s0 =	sand.u32 $0x1, s1  }
0x4: {  	s18 =	sshll.u32 s0, $0xA;
	s2 =	sadd.s32 s3, s2  }
0x5: {  	s2 =	sadd.s32 s2, s18  }
0x6: {  	[smem:$0x3FC6] =	sst s2  }
0x7: {  	_ = 	snop  }
0x8: {  	s2 =	sld [smem:$0x3FD0];
	(tm) =	ssettm $0x1  }
0x9: {  	s19 =	sld [smem:$0x3FFB];
	_ =	sdelay $0x3  }
0xa: {  	_ =	strace s19  }
0xb: {  	s3 =	sld [smem:$0x3FFC];
	_ =	sdelay $0x3  }
0xc: {  	_ =	strace s3  }
0xd: {  	s3 =	sld [smem:$0x3FFD];
	_ =	sdelay $0x3  }
0xe: {  	_ =	strace s3  }
0xf: {  	_ =	strace $0x8FFFFFFF  }
0x10: {  	s20 =	sld [smem:$0x3FDB];
	_ =	sdelay $0x1  }
0x11: {  	s4 =	simm.s32 $_scs_section_size  }
0x12: {  	s5 =	simm.s32 $_size__tile_overlayer_lowered;
	s6 =	simm.s32 $_tile_overlayer_lowered  }
0x13: {  	s23 =	simm.s32 $0x1BFF;
	s22 =	sshll.u32 s6, $0x1;
	s3 =	sadd.s32 s4, s20  }
0x14: {  	s7 =	simm.s32 $0x0;
	s21 =	sshll.u32 s5, $0x1;
	s5 =	sadd.s32 s22, s3  }
0x15: {  	[timem:s7], [sflag:s23] =	dma.local [hbm:s5], s21  }
0x16: {  	_ =	swait.ge [sflag:s23], s21  }
0x17: {  	s4 =	ssub.s32 $0x0, s21;
	[sflag:s23] =	ssyncset.done $0x0  }
0x18: {  	[sflag:s23] =	ssyncadd.s32 s4;
	_ =	sdelay $0x1  }
0x19: {  	s24 =	simm.s32 $0x1B8B  }
0x1a: {  	_ =	swait.ge [sflag:s24], $0x1  }
0x1b: {  	[sflag:s24] =	ssyncset.done $0x0  }
0x1c: {  	s26 =	simm.s32 $0x1B8E;
	s25 =	sld [smem:$0x3FFE];
	[sflag:s24] =	ssyncadd.s32 $0xFFFFFFFF  }
0x1d: {  	s27 =	simm.s32 $execute0_lowered;
	[smem:$0x3FD2] =	sst s26  }
0x1e: {  	s5 =	sshll.u32 s27, $0x1;
	_ =	strace $0x80000049;
	[dreg:$0x1] =	wrdreg $0xFFFFFFFF  }
0x1f: {  	s28 =	simm.s32 $_size_execute0_lowered;
	s3 =	sadd.s32 s3, s5;
	[dreg:$0x0] =	wrdreg $0x0  }
0x20: {  	s5 =	sshll.u32 s28, $0x1;
	[dreg:$0x2] =	wrdreg s3  }
0x21: {  	[dreg:$0x3] =	wrdreg s5  }
0x22: {  	[dreg:$0x4] =	wrdreg $0xC0  }
0x23: {  	_ =	task [dreg:s7], $0x5FFFF  }
0x24: {  	[dreg:$0x1] =	wrdreg $0xFFFFFFFF  }
0x25: {  	[dreg:$0x0] =	wrdreg $0x60  }
0x26: {  	[dreg:$0x2] =	wrdreg s25  }
0x27: {  	[dreg:$0x3] =	wrdreg s2  }
0x28: {  	[dreg:$0x4] =	wrdreg $0x9  }
0x29: {  	_ =	task.clear_ibuf [dreg:s7], $0x5FFFF;
	_ =	strace $0x90000049  }
0x2a: {  	s29 =	simm.s32 $0x9;
	_ =	strace $0x8000004B  }
0x2b: {  	_ =	swait.ge [sflag:s29], $0x1  }
0x2c: {  	[sflag:s29] =	ssyncadd.s32 $0xFFFFFFFF  }
0x2d: {  	_ =	strace $0x9000004B  }
0x2e: {  	_ =	sfence  }
0x2f: {  	s30 =	sld [smem:$0x0];
	_ =	sdelay $0x2  }
0x30: {  	s31 =	sshll.u32 s1, $0xD;
	s1 =	sshrl.u32 s1, $0x2  }
0x31: {  	s3 =	sand.u32 $0x4000, s31;
	s1 =	sadd.s32 s1, s30  }
0x32: {  	s0 =	sor.u32 s3, s0;
	s1 =	sshll.u32 s1, $0x11  }
0x33: {  	s0 =	sor.u32 s1, s0  }
0x34: {  	s0 =	sadd.s32 $0x8F2B, s0  }
0x35: {  	[sflag:s0] =	ssyncadd.remote.s32 $0x1  }
0x36: {  	_ =	sfence.sel $0xFFFF  }
0x37: {  	[dreg:$0x0] =	wrdreg $0xFFFFFFFF;
	(pc) =	sbr.abs _section_cstart, $3  }
0x38: {  	[dreg:$0x1] =	wrdreg $0xFFFFFFFF  }
0x39: {  	_ =	task.clear_ibuf [dreg:s7], $0x2FFFF;
	_ =	strace $0x9FFFFFFF  }
0x3a: {  	(tm) =	ssettm $0x7FFFFFFF  }
0x3b: {  	_ =	shalt  }
tec
execute0_lowered:
.L_overlay_start_1:
0x0: {  	(tag) =	ssettag $0x1  }
0x1: {  	s0 =	srdreg.scid  }
0x2: {  	s1 =	sshll.u32 s0, $0x4  }
0x3: {  	s4 =	rddreg [dreg:$0x0];
	s0 =	stileid.u32;
	s1 =	sand.u32 $0x10, s1  }
0x4: {  	s2 =	rddreg [dreg:$0x1];
	s7 =	simm.s32 $0x1;
	s1 =	sor.u32 s0, s1  }
0x5: {  	s8 =	simm.s32 $0x2;
	s11 =	simm.s32 $0x0;
	s3 =	sshll.u32 s1, $0x7  }
0x6: {  	s10 =	simm.s32 $0x0;
	s4 =	sadd.s32 $0x800, s4;
	s6 =	ssub.s32 $0xC8000, s3  }
.Ltmp0:
0x7: {  	s1 =	rddreg [dreg:$0x2];
	s5 =	sand.u32 $0xF80, s6;
	(pc) =	sbr.rel .LBB1_1-.Ltmp0, $4  }
0x8: {  	_ =	strace $0x8000004A;
	s9 =	smov.u32 s3;
	p0 =	sne.s32 s5, $0x0  }
0x9: {  	s6 =	sshrl.u32 s6, $0xC;
	s5 =	simm.s32 $0x1;
	s7 =	simm.s32 @!p0 $0x0  }
0xa: {  	[sflag:s5] =	ssyncpa.u1 $0x0;
	p0 =	por $0x0, $0x0;
	s6 =	sadd.s32 s7, s6  }
0xb: {  	[sflag:s8] =	ssyncpa.u1 $0x0;
	s8 =	simm.s32 $0x640000;
	s7 =	sadd.s32 $0x1, s6  }
.LBB1_4:
0xc: {  	s14 =	sshll.u32 s11, $0x3  }
0xd: {  	s30 =	sand.u32 $0x7F, s11;
	s15 =	sand.u32 $0xFFFFFC00, s14  }
0xe: {  	s11 =	sor.u32 s30, s15  }
0xf: {  	s15 =	smulhi.u32 $0x51EB851F, s11  }
0x10: {  	s14 =	smulhi.u32 $0x51EB851F, s14  }
0x11: {  	s15 =	sshrl.u32 s15, $0x12  }
0x12: {  	s14 =	sshrl.u32 s14, $0x12;
	s15 =	smul.u32 $0xC8000, s15  }
0x13: {  	s14 =	sand.u32 $0x3F, s14  }
0x14: {  	s14 =	smul.u32 $0x19000, s14;
	s11 =	ssub.s32 s11, s15  }
0x15: {  	[tilespmem:s13+$0x810 ss:$0x81] =	vst.msk $0xffff, v2;
	s15 =	sand.u32 $0x7, s11  }
0x16: {  	[tilespmem:s13+$0x1020 ss:$0x81] =	vst.msk $0xffff, v0;
	s14 =	sadd.s32 s2, s14;
	s11 =	sshrl.u32 s11, $0x3;
	s15 =	sshll.u32 s15, $0x12  }
0x17: {  	[tilespmem:s13+$0x0 ss:$0x81] =	vst.msk $0xffff, v1;
	s11 =	sadd.s32 s11, s14;
	s31 =	sor.u32 $0x400, s15  }
0x18: {  	[hbm4b:s11+s31] =	stream.strided.scatter [tilespmem:s12], [sflag:$0x2], $0x2000, s8, s31, $0x20;
	[tilespmem:$0x8080] =	vst v63  }
.LBB1_5:
0x19: {  	s13 =	sadd.s32 $0x1000, s9  }
0x1a: {  	p2 =	sgt.s32 s13, $0xC7FFF  }
0x1b: {  	s13 =	smov.u32 @p2 s3;
	p2 =	sne.s32 s10, s7  }
.Ltmp1:
0x1c: {  	p1 =	slt.u32 s10, $0x2;
	(pc) =	sbr.rel @!p2 .LBB1_6-.Ltmp1, $4  }
0x1d: {  	s12 =	simm.s32 @!p1 $0x2  }
0x1e: {  	s14 =	sadd.s32 $0x1, s10;
	_ =	swait.ge @!p1 [sflag:s12], $0x2000  }
0x1f: {  	s11 =	smov.u32 s9;
	p0 =	por !p0, !p0;
	[sflag:s12] =	ssyncset.done @!p1 $0x0  }
0x20: {  	s10 =	smov.u32 s14;
	s9 =	smov.u32 s13;
	[sflag:s12] =	ssyncadd.s32 @!p1 $0xFFFFE000  }
.LBB1_1:
0x21: {  	p1 =	sge.u32 s10, s6  }
0x22: {  	s12 =	sand.u32 @!p1 $0x1FFFFFF, s9  }
0x23: {  	s13 =	smulhi.u32 @!p1 $0x147AE15, s12;
	_ =	sdelay $0x1  }
0x24: {  	s13 =	sshrl.u32 @!p1 s13, $0xC  }
0x25: {  	s13 =	smul.u32 @!p1 $0xC8000, s13;
	_ =	sdelay $0x1  }
0x26: {  	s31 =	sadd.s32 $0xFFFFFFFF, s10;
	s14 =	sxor.u32 @!p1 $0xFFFFFFFF, s10;
	s12 =	ssub.s32 @!p1 s12, s13  }
0x27: {  	s15 =	simm.s32 @!p1 $0x80;
	s14 =	sshll.u32 @!p1 s14, $0xD;
	s12 =	sshll.u32 @!p1 s12, $0x4  }
0x28: {  	s13 =	sand.u32 @!p1 $0x2000, s14;
	s14 =	simm.s32 @!p1 $0x40;
	s12 =	sadd.s32 @!p1 s4, s12  }
0x29: {  	[tilespmem:s13], [sflag:$0x1] =	stream.strided.gather @!p1 [hbm4b:s12+s14], $0x2000, s15, s14, $0x38;
	[tilespmem:$0x8080] =	vst v63  }
0x2a: {  	p1 =	sge.u32 s31, s6  }
.Ltmp2:
0x2b: {  	_ = 	snop;
	(pc) =	sbr.rel @p1 .LBB1_5-.Ltmp2, $1  }
0x2c: {  	_ =	sdelay $0x3  }
0x2d: {  	s12 =	simm.s32 $0x1  }
0x2e: {  	_ =	swait.ge [sflag:s5], $0x2000;
	s12 =	simm.s32 @!p0 $0x0  }
0x2f: {  	[sflag:s5] =	ssyncset.done $0x0;
	s13 =	sshll.u32 s12, $0xD  }
0x30: {  	[sflag:s5] =	ssyncadd.s32 $0xFFFFE000;
	s16 =	sor.u32 $0x20, s13  }
0x31: {  	s12 =	smul.u32 $0x8100, s12;
	v3 =	vld [tilespmem:s16+$0x10]  }
0x32: {  	s30 =	sand.u32 $0x1, s10;
	v2 =	vld [tilespmem:s16+$0xFFFFFFF0]  }
0x33: {  	s13 =	smul.u32 $0x8100, s30;
	s12 =	sshrl.u32 s12, $0x2;
	v0 =	vld [tilespmem:s16+$0x0]  }
0x34: {  	v1 =	vld [tilespmem:s16+$0xFFFFFFE0];
	s14 =	sor.u32 $0x4000, s12  }
0x35: {  	s31 =	sshrl.u32 s13, $0x2;
	s13 =	sadd.s32 $0x0, s14  }
0x36: {  	s15 =	simm.s32 $0x4;
	s16 =	sadd.s32 $0x40, s16;
	s12 =	sor.u32 $0x4000, s31;
	[tilespmem:s13+$0x1830 ss:$0x81] =	vst.msk $0xffff, v3  }
.LBB1_3:
0x37: {  	v3 =	vld [tilespmem:s16+$0x10];
	p1 =	sne.s32 s15, $0x1FC;
	[tilespmem:s13+$0x810 ss:$0x81] =	vst.msk $0xffff, v2;
	s17 =	smov.u32 s15;
	s15 =	sadd.s32 $0x4, s15  }
.Ltmp3:
0x38: {  	v2 =	vld [tilespmem:s16+$0xFFFFFFF0];
	[tilespmem:s13+$0x1020 ss:$0x81] =	vst.msk $0xffff, v0;
	(pc) =	sbr.rel @p1 .LBB1_3-.Ltmp3, $4  }
0x39: {  	v0 =	vld [tilespmem:s16+$0x0];
	[tilespmem:s13+$0x0 ss:$0x81] =	vst.msk $0xffff, v1  }
0x3a: {  	s13 =	sshra.s32 s17, $0x2;
	v1 =	vld [tilespmem:s16+$0xFFFFFFE0]  }
0x3b: {  	s13 =	sadd.s32 s13, s14  }
0x3c: {  	s16 =	sadd.s32 $0x40, s16;
	[tilespmem:s13+$0x1830 ss:$0x81] =	vst.msk $0xffff, v3  }
.Ltmp4:
0x3d: {  	_ = 	snop;
	(pc) =	sbr.rel .LBB1_4-.Ltmp4, $1  }
0x3e: {  	_ =	sdelay $0x3  }
.LBB1_6:
0x3f: {  	_ =	sfence.sel $0x180000  }
0x40: {  	s2 =	simm.s32 $0x1;
	[bflag:$0x0] =	sbarrier.arrive $0xFFFF  }
0x41: {  	s31 =	simm.s32 $0x2;
	[sflag:s2] =	ssyncpa.u1 $0x1  }
0x42: {  	[sflag:s31] =	ssyncpa.u1 $0x1  }
0x43: {  	p0 =	sne.s32 s0, $0x0;
	_ =	strace $0x9000004A  }
0x44: {  	s0 =	sadd.s32 @!p0 $0x100000, s1;
	[bflag:$0x2] =	sbarrier.arrive $0xFFFF  }
0x45: {  	[sflag:s0] =	ssyncadd.tile.s32 @!p0 $0x1;
	_ =	shalt  }
.Lfunc_end1:
_tile_overlayer_lowered:
.L_overlay_start_2:
0x46: {  	(tag) =	ssettag $0x2  }
0x47: {  	s0 =	rddreg [dreg:$0x0];
	s2 =	stileid.u32  }
0x48: {  	s1 =	rddreg [dreg:$0x1];
	p0 =	sne.s32 s2, $0x0  }
0x49: {  	s3 =	rddreg [dreg:$0x2];
	[bflag:$0x3] =	sbarrier.arrive $0xFFFF;
	s2 =	simm.s32 @!p0 $0x1C01  }
0x4a: {  	[timem:s3], [sflag:s2] =	dma.local @!p0 [hbm:s0], s1  }
0x4b: {  	s0 =	simm.s32 @!p0 $0x1  }
0x4c: {  	_ =	swait.ge @!p0 [sflag:s0], s1  }
0x4d: {  	s1 =	ssub.s32 @!p0 $0x0, s1;
	[sflag:s0] =	ssyncset.done @!p0 $0x0  }
0x4e: {  	[sflag:s0] =	ssyncadd.s32 @!p0 s1  }
0x4f: {  	[bflag:$0x3] =	sbarrier.arrive $0xFFFF  }
0x50: {  	_ =	shalt  }

</sc_bundles>
